<compile_context>
chip_gen: v7x
topology: tpu7x:2x2x1
jax: 0.10.2.dev20260603
libtpu: 0.0.44.dev20260713+nightly
codegen_flags: <defaults>
</compile_context>

<pallas_src>
import functools

import jax
import jax.numpy as jnp
from jax import lax
from jax.experimental import pallas as pl
from jax.experimental.pallas import tpu as pltpu
from jax.experimental.pallas import tpu_sc as plsc

N_NODES = 10000
N_EDGES = 320000
D = 128

NC = 2
NS = 16
LANES = 16

B = 128
KP = 160
K0 = 120
K1 = KP - K0
HC = 8
NHC = KP // HC
E_PAD = NS * KP * B
N_PAD = 10240
ROWS_PER_TILE = N_PAD // NS


def _sc_segment_sum(x, src3, dst3):
    mesh = plsc.VectorSubcoreMesh(core_axis_name="c", subcore_axis_name="s")

    @functools.partial(
        pl.kernel,
        out_type=(
            jax.ShapeDtypeStruct((NC, N_PAD, D), jnp.float32),
            jax.ShapeDtypeStruct((NC, NS, N_PAD), jnp.float32),
        ),
        mesh=mesh,
        scratch_types=[
            pltpu.VMEM((2 * HC, B), jnp.int32),
            pltpu.VMEM((2 * HC, B), jnp.int32),
            pltpu.VMEM((B, D), jnp.float32),
            pltpu.VMEM((B, D), jnp.float32),
            pltpu.VMEM((N_PAD,), jnp.float32),
            pltpu.VMEM_SHARED((N_PAD, D), jnp.float32),
            pltpu.SemaphoreType.DMA,
            pltpu.SemaphoreType.DMA,
            pltpu.SemaphoreType.DMA,
            pltpu.SemaphoreType.DMA,
            pltpu.SemaphoreType.DMA,
        ],
        compiler_params=pltpu.CompilerParams(needs_layout_passes=False),
    )
    def sc_kernel(x_hbm, src_hbm, dst_hbm, sums_out, cnt_out,
                  src_v, dst_v, rows0, rows1, cnt_v, sums_sh,
                  g0, g1, s0, s1, stsem):
        cid = lax.axis_index("c")
        sid = lax.axis_index("s")
        k_t = lax.select(cid == 0, K0, K1)
        hc_base = lax.select(cid == 0, 0, K0 // HC)
        rows = (rows0, rows1)
        gsem = (g0, g1)
        ssem = (s0, s1)
        ones16 = jnp.ones((LANES,), jnp.float32)

        def stage(hc):
            off = lax.rem(hc, 2) * HC
            pltpu.sync_copy(src_hbm.at[sid, hc_base + hc],
                            src_v.at[pl.ds(off, HC)])
            pltpu.sync_copy(dst_hbm.at[sid, hc_base + hc],
                            dst_v.at[pl.ds(off, HC)])

        def issue_stage(hc):
            off = lax.rem(hc, 2) * HC
            pltpu.async_copy(src_hbm.at[sid, hc_base + hc],
                             src_v.at[pl.ds(off, HC)], stsem)
            pltpu.async_copy(dst_hbm.at[sid, hc_base + hc],
                             dst_v.at[pl.ds(off, HC)], stsem)

        def wait_stage(hc):
            off = lax.rem(hc, 2) * HC
            pltpu.make_async_copy(src_hbm.at[sid, hc_base + hc],
                                  src_v.at[pl.ds(off, HC)], stsem).wait()
            pltpu.make_async_copy(dst_hbm.at[sid, hc_base + hc],
                                  dst_v.at[pl.ds(off, HC)], stsem).wait()

        def issue_gather(j, p):
            r = lax.rem(j, 2 * HC)
            pltpu.async_copy(x_hbm.at[src_v.at[r]], rows[p], gsem[p])

        def wait_gather(j, p):
            r = lax.rem(j, 2 * HC)
            pltpu.make_async_copy(x_hbm.at[src_v.at[r]], rows[p],
                                  gsem[p]).wait()

        def issue_scatter(j, p):
            r = lax.rem(j, 2 * HC)
            pltpu.async_copy(rows[p], sums_sh.at[dst_v.at[r]], ssem[p],
                             add=True)

        def wait_scatter(j, p):
            r = lax.rem(j, 2 * HC)
            pltpu.make_async_copy(rows[p], sums_sh.at[dst_v.at[r]],
                                  ssem[p]).wait()

        def count(j):
            r = lax.rem(j, 2 * HC)

            @pl.loop(0, B, step=LANES)
            def _(t):
                plsc.addupdate_scatter(
                    cnt_v, [dst_v[r, pl.ds(t, LANES)]], ones16)

        @pl.loop(0, B)
        def _(i):
            @pl.loop(0, D, step=LANES)
            def _(j):
                rows0[i, pl.ds(j, LANES)] = jnp.zeros((LANES,), jnp.float32)

        @pl.loop(0, N_PAD, step=LANES)
        def _(i):
            cnt_v[pl.ds(i, LANES)] = jnp.zeros((LANES,), jnp.float32)

        base = sid * ROWS_PER_TILE
        for r in range(ROWS_PER_TILE // B):
            pltpu.sync_copy(rows0, sums_sh.at[pl.ds(base + r * B, B)])
        plsc.subcore_barrier()

        stage(0)
        stage(1)
        issue_gather(0, 0)

        @pl.loop(0, k_t, step=2)
        def _(j):
            wait_gather(j, 0)
            issue_scatter(j, 0)

            @pl.when(j > 0)
            def _():
                wait_scatter(j - 1, 1)

            @pl.when((lax.rem(j + 4, HC) == 0) & (j + 4 >= 2 * HC)
                     & (j + 4 < k_t))
            def _():
                issue_stage((j + 4) // HC)

            @pl.when((lax.rem(j + 1, HC) == 0) & (j + 1 >= 2 * HC))
            def _():
                wait_stage((j + 1) // HC)

            issue_gather(j + 1, 1)
            count(j)

            wait_gather(j + 1, 1)
            issue_scatter(j + 1, 1)
            wait_scatter(j, 0)

            @pl.when((lax.rem(j + 5, HC) == 0) & (j + 5 >= 2 * HC)
                     & (j + 5 < k_t))
            def _():
                issue_stage((j + 5) // HC)

            @pl.when(j + 2 < k_t)
            def _():
                @pl.when((lax.rem(j + 2, HC) == 0) & (j + 2 >= 2 * HC))
                def _():
                    wait_stage((j + 2) // HC)

                issue_gather(j + 2, 0)

            count(j + 1)

        wait_scatter(k_t - 1, 1)
        plsc.subcore_barrier()

        pltpu.sync_copy(sums_sh.at[pl.ds(base, ROWS_PER_TILE)],
                        sums_out.at[cid, pl.ds(base, ROWS_PER_TILE)])
        pltpu.sync_copy(cnt_v, cnt_out.at[cid, sid])

    return sc_kernel(x, src3, dst3)


_BLK = 1024


def _tc_body(s_ref, c_ref, x_ref, wl_ref, wr_ref, b_ref, o_ref):
    cnt = jnp.sum(c_ref[...], axis=(0, 1))[:, None]
    agg = (s_ref[0] + s_ref[1]) / jnp.maximum(cnt, 1.0)
    o_ref[...] = (
        jnp.dot(agg, wl_ref[...], preferred_element_type=jnp.float32)
        + jnp.dot(x_ref[...], wr_ref[...], preferred_element_type=jnp.float32)
        + b_ref[...]
    )


def _tc_combine(sums, cnts, x, W_l, W_r, b):
    grid = (pl.cdiv(N_NODES, _BLK),)
    return pl.pallas_call(
        _tc_body,
        grid=grid,
        in_specs=[
            pl.BlockSpec((NC, _BLK, D), lambda i: (0, i, 0)),
            pl.BlockSpec((NC, NS, _BLK), lambda i: (0, 0, i)),
            pl.BlockSpec((_BLK, D), lambda i: (i, 0)),
            pl.BlockSpec((D, D), lambda i: (0, 0)),
            pl.BlockSpec((D, D), lambda i: (0, 0)),
            pl.BlockSpec((1, D), lambda i: (0, 0)),
        ],
        out_specs=pl.BlockSpec((_BLK, D), lambda i: (i, 0)),
        out_shape=jax.ShapeDtypeStruct((N_NODES, D), jnp.float32),
    )(sums, cnts, x, W_l, W_r, b)


def kernel(x, edge_index, W_l, b_l, W_r, b_r):
    ei = edge_index.astype(jnp.int32)
    pad = E_PAD - N_EDGES
    src = jnp.concatenate([ei[0], jnp.zeros((pad,), jnp.int32)])
    dst = jnp.concatenate([ei[1], jnp.full((pad,), N_NODES, jnp.int32)])
    src3 = src.reshape(NS, NHC, HC, B)
    dst3 = dst.reshape(NS, NHC, HC, B)

    sums, cnts = _sc_segment_sum(x, src3, dst3)
    b = (b_l + b_r).reshape(1, D)
    return _tc_combine(sums, cnts, x, W_l, W_r, b)

# --- scband reference (transcript-rebuilt; emitter-appended) ---
"""Pipeline reference for scband-sageconv-37151467110629 (READ-ONLY COPY).

The authoritative reference and input builder live on the scoring server;
editing this copy changes nothing except your own understanding.
"""

import jax, jax.numpy as jnp
import numpy as np

N_NODES = 10000
N_EDGES = 320000
D_IN = 128
D_OUT = 128


def setup_inputs(seed: int = 0) -> dict:
    key = jax.random.key(seed)
    k_x, k_ei, k_wl, k_bl, k_wr, k_br = jax.random.split(key, 6)
    x = jax.random.normal(k_x, (N_NODES, D_IN), dtype=jnp.float32)
    edge_index = jax.random.randint(k_ei, (2, N_EDGES), 0, N_NODES, dtype=jnp.int64)
    # Linear layer params (Kaiming-uniform-like init, stored as [in, out])
    bound = 1.0 / np.sqrt(D_IN)
    W_l = jax.random.uniform(k_wl, (D_IN, D_OUT), dtype=jnp.float32, minval=-bound, maxval=bound)
    b_l = jax.random.uniform(k_bl, (D_OUT,), dtype=jnp.float32, minval=-bound, maxval=bound)
    W_r = jax.random.uniform(k_wr, (D_IN, D_OUT), dtype=jnp.float32, minval=-bound, maxval=bound)
    b_r = jax.random.uniform(k_br, (D_OUT,), dtype=jnp.float32, minval=-bound, maxval=bound)
    return {"x": x, "edge_index": edge_index, "W_l": W_l, "b_l": b_l, "W_r": W_r, "b_r": b_r}


def reference(x, edge_index, W_l, b_l, W_r, b_r):
    # SAGEConv forward: x_j = matmul(adj_t, x, reduce='mean'); out = lin_l(x_j) + lin_r(x)
    # adj_t row i aggregates over edges (src -> dst=i), i.e. mean of source features per dst node.
    N = x.shape[0]
    src = edge_index[0]
    dst = edge_index[1]
    msgs = jnp.take(x, src, axis=0)                                   # gather [E, d]
    sums = jax.ops.segment_sum(msgs, dst, num_segments=N)             # scatter-add [N, d]
    cnt = jax.ops.segment_sum(jnp.ones((src.shape[0],), dtype=x.dtype), dst, num_segments=N)
    x_j_agg = sums / jnp.maximum(cnt, 1.0)[:, None]                   # mean reduce (0 for isolated nodes)
    out = (x_j_agg @ W_l + b_l) + (x @ W_r + b_r)
    # normalize=False -> no F.normalize
    return out

if __name__ == "__main__":
    import jax
    _d = setup_inputs()
    print(jax.jit(kernel)(*tuple(_d.values())))

</pallas_src>

<mosaic_0001>
#map = affine_map<(d0, d1) -> (0, 0)>
#map1 = affine_map<(d0, d1) -> (0, 0, 0, 0)>
#map2 = affine_map<(d0, d1) -> (0, 0, 0)>
module attributes {stable_mosaic.version = 14 : i64} {
  func.func @sc_kernel(%arg0: i32, %arg1: i32, %arg2: memref<10000x128xf32, #tpu.memory_space<hbm>>, %arg3: memref<16x20x8x128xi32, #tpu.memory_space<hbm>>, %arg4: memref<16x20x8x128xi32, #tpu.memory_space<hbm>>, %arg5: memref<2x10240x128xf32, #tpu.memory_space<hbm>>, %arg6: memref<2x16x10240xf32, #tpu.memory_space<hbm>>, %arg7: memref<16x128xi32, #tpu.memory_space<vmem>>, %arg8: memref<16x128xi32, #tpu.memory_space<vmem>>, %arg9: memref<128x128xf32, #tpu.memory_space<vmem>>, %arg10: memref<128x128xf32, #tpu.memory_space<vmem>>, %arg11: memref<10240xf32, #tpu.memory_space<vmem>>, %arg12: memref<10240x128xf32, #tpu.memory_space<vmem_shared>>, %arg13: memref<!tpu.dma_semaphore, #tpu.memory_space<semaphore_mem>>, %arg14: memref<!tpu.dma_semaphore, #tpu.memory_space<semaphore_mem>>, %arg15: memref<!tpu.dma_semaphore, #tpu.memory_space<semaphore_mem>>, %arg16: memref<!tpu.dma_semaphore, #tpu.memory_space<semaphore_mem>>, %arg17: memref<!tpu.dma_semaphore, #tpu.memory_space<semaphore_mem>>) attributes {dimension_semantics = [#tpu.dimension_semantics<core_parallel>, #tpu.dimension_semantics<subcore_parallel>], iteration_bounds = array<i64: 2, 16>, scalar_prefetch = 0 : i64, scratch_operands = 11 : i64, tpu.core_type = #tpu.core_type<sc_vector_subcore>, window_params = [{transform_indices = #map}, {transform_indices = #map1}, {transform_indices = #map1}, {transform_indices = #map2}, {transform_indices = #map2}]} {
    %eq3A = arith.constant 0 : i32
    %eq3A_0 = arith.cmpi eq, %arg0, %eq3A : i32
    %select_n3A = arith.constant 40 : i32
    %select_n3A_1 = arith.constant 120 : i32
    %select_n3A_2 = arith.select %eq3A_0, %select_n3A_1, %select_n3A : i32
    %eq3A_3 = arith.constant 0 : i32
    %eq3A_4 = arith.cmpi eq, %arg0, %eq3A_3 : i32
    %select_n3A_5 = arith.constant 15 : i32
    %select_n3A_6 = arith.constant 0 : i32
    %select_n3A_7 = arith.select %eq3A_4, %select_n3A_6, %select_n3A_5 : i32
    %broadcast_in_dim3A = arith.constant 1.000000e+00 : f32
    %broadcast_in_dim3A_8 = vector.broadcast %broadcast_in_dim3A : f32 to vector<16xf32>
    %scan3A = arith.constant 0 : i32
    %scan3A_9 = arith.constant 128 : i32
    %scan3A_10 = arith.addi %scan3A, %scan3A_9 : i32
    %scan3A_11 = arith.constant 1 : i32
    scf.for %scan3A_79 = %scan3A to %scan3A_10 step %scan3A_11  : i32 {
      %mul3A_80 = arith.constant 1 : i32
      %mul3A_81 = arith.muli %scan3A_79, %mul3A_80 : i32
      %add3A_82 = arith.constant 0 : i32
      %add3A_83 = arith.addi %add3A_82, %mul3A_81 : i32
      %scan3A_84 = arith.constant 0 : i32
      %scan3A_85 = arith.constant 8 : i32
      %scan3A_86 = arith.addi %scan3A_84, %scan3A_85 : i32
      %scan3A_87 = arith.constant 1 : i32
      scf.for %scan3A_89 = %scan3A_84 to %scan3A_86 step %scan3A_87  : i32 {
        %mul3A_90 = arith.constant 16 : i32
        %mul3A_91 = arith.muli %scan3A_89, %mul3A_90 : i32
        %add3A_92 = arith.constant 0 : i32
        %add3A_93 = arith.addi %add3A_92, %mul3A_91 : i32
        %broadcast_in_dim3A_94 = arith.constant 0.000000e+00 : f32
        %broadcast_in_dim3A_95 = vector.broadcast %broadcast_in_dim3A_94 : f32 to vector<16xf32>
        %swap3A = arith.index_cast %add3A_83 : i32 to index
        %swap3A_96 = arith.index_cast %add3A_93 : i32 to index
        %swap3A_97 = tpu.vector_load %arg9[%swap3A, %swap3A_96] {strides = array<i32>} : memref<128x128xf32, #tpu.memory_space<vmem>>, vector<16xf32>,
        tpu.vector_store %arg9[%swap3A, %swap3A_96], %broadcast_in_dim3A_95 {strides = array<i32>} : memref<128x128xf32, #tpu.memory_space<vmem>>, vector<16xf32>,
      }
      %scan3A_88 = arith.constant 8 : i32
    }
    %scan3A_12 = arith.constant 128 : i32
    %scan3A_13 = arith.constant 0 : i32
    %scan3A_14 = arith.constant 640 : i32
    %scan3A_15 = arith.addi %scan3A_13, %scan3A_14 : i32
    %scan3A_16 = arith.constant 1 : i32
    scf.for %scan3A_79 = %scan3A_13 to %scan3A_15 step %scan3A_16  : i32 {
      %mul3A_80 = arith.constant 16 : i32
      %mul3A_81 = arith.muli %scan3A_79, %mul3A_80 : i32
      %add3A_82 = arith.constant 0 : i32
      %add3A_83 = arith.addi %add3A_82, %mul3A_81 : i32
      %broadcast_in_dim3A_84 = arith.constant 0.000000e+00 : f32
      %broadcast_in_dim3A_85 = vector.broadcast %broadcast_in_dim3A_84 : f32 to vector<16xf32>
      %swap3A = arith.index_cast %add3A_83 : i32 to index
      %swap3A_86 = tpu.vector_load %arg11[%swap3A] {strides = array<i32>} : memref<10240xf32, #tpu.memory_space<vmem>>, vector<16xf32>,
      tpu.vector_store %arg11[%swap3A], %broadcast_in_dim3A_85 {strides = array<i32>} : memref<10240xf32, #tpu.memory_space<vmem>>, vector<16xf32>,
    }
    %scan3A_17 = arith.constant 640 : i32
    %mul3A = arith.constant 640 : i32
    %mul3A_18 = arith.muli %arg1, %mul3A : i32
    %add3A = arith.constant 0 : i32
    %add3A_19 = arith.addi %mul3A_18, %add3A : i32
    "tpu.region"() ({
      %run_scoped3A = tpu.sem_alloc : memref<!tpu.dma_semaphore, #tpu.memory_space<semaphore_mem>>
      %dma_start3A_79 = arith.constant 0 : i32
      %dma_start3A_80 = tpu.memref_slice %arg12[%add3A_19, %dma_start3A_79] : memref<10240x128xf32, #tpu.memory_space<vmem_shared>> -> memref<128x128xf32, #tpu.memory_space<vmem_shared>>
      %dma_start3A_81 = arith.constant 0 : i32
      %dma_start3A_82 = tpu.memref_slice %arg12[%add3A_19, %dma_start3A_81] : memref<10240x128xf32, #tpu.memory_space<vmem_shared>> -> memref<128x128xf32, #tpu.memory_space<vmem_shared>>
      tpu.enqueue_dma source(%arg9 : memref<128x128xf32, #tpu.memory_space<vmem>>) target(%dma_start3A_82 : memref<128x128xf32, #tpu.memory_space<vmem_shared>>) target_semaphore(%run_scoped3A : memref<!tpu.dma_semaphore, #tpu.memory_space<semaphore_mem>>)
      %dma_wait3A_83 = arith.constant 0 : i32
      %dma_wait3A_84 = tpu.memref_slice %arg12[%add3A_19, %dma_wait3A_83] : memref<10240x128xf32, #tpu.memory_space<vmem_shared>> -> memref<128x128xf32, #tpu.memory_space<vmem_shared>>
      %dma_wait3A_85 = arith.constant 0 : i32
      %dma_wait3A_86 = tpu.memref_slice %arg12[%add3A_19, %dma_wait3A_85] : memref<10240x128xf32, #tpu.memory_space<vmem_shared>> -> memref<128x128xf32, #tpu.memory_space<vmem_shared>>
      tpu.wait_dma2 semaphore(%run_scoped3A : memref<!tpu.dma_semaphore, #tpu.memory_space<semaphore_mem>>) src(%arg9 : memref<128x128xf32, #tpu.memory_space<vmem>>) dst(%dma_wait3A_86 : memref<128x128xf32, #tpu.memory_space<vmem_shared>>)
      tpu.yield
    }) : () -> ()
    %add3A_20 = arith.constant 128 : i32
    %add3A_21 = arith.addi %mul3A_18, %add3A_20 : i32
    "tpu.region"() ({
      %run_scoped3A = tpu.sem_alloc : memref<!tpu.dma_semaphore, #tpu.memory_space<semaphore_mem>>
      %dma_start3A_79 = arith.constant 0 : i32
      %dma_start3A_80 = tpu.memref_slice %arg12[%add3A_21, %dma_start3A_79] : memref<10240x128xf32, #tpu.memory_space<vmem_shared>> -> memref<128x128xf32, #tpu.memory_space<vmem_shared>>
      %dma_start3A_81 = arith.constant 0 : i32
      %dma_start3A_82 = tpu.memref_slice %arg12[%add3A_21, %dma_start3A_81] : memref<10240x128xf32, #tpu.memory_space<vmem_shared>> -> memref<128x128xf32, #tpu.memory_space<vmem_shared>>
      tpu.enqueue_dma source(%arg9 : memref<128x128xf32, #tpu.memory_space<vmem>>) target(%dma_start3A_82 : memref<128x128xf32, #tpu.memory_space<vmem_shared>>) target_semaphore(%run_scoped3A : memref<!tpu.dma_semaphore, #tpu.memory_space<semaphore_mem>>)
      %dma_wait3A_83 = arith.constant 0 : i32
      %dma_wait3A_84 = tpu.memref_slice %arg12[%add3A_21, %dma_wait3A_83] : memref<10240x128xf32, #tpu.memory_space<vmem_shared>> -> memref<128x128xf32, #tpu.memory_space<vmem_shared>>
      %dma_wait3A_85 = arith.constant 0 : i32
      %dma_wait3A_86 = tpu.memref_slice %arg12[%add3A_21, %dma_wait3A_85] : memref<10240x128xf32, #tpu.memory_space<vmem_shared>> -> memref<128x128xf32, #tpu.memory_space<vmem_shared>>
      tpu.wait_dma2 semaphore(%run_scoped3A : memref<!tpu.dma_semaphore, #tpu.memory_space<semaphore_mem>>) src(%arg9 : memref<128x128xf32, #tpu.memory_space<vmem>>) dst(%dma_wait3A_86 : memref<128x128xf32, #tpu.memory_space<vmem_shared>>)
      tpu.yield
    }) : () -> ()
    %add3A_22 = arith.constant 256 : i32
    %add3A_23 = arith.addi %mul3A_18, %add3A_22 : i32
    "tpu.region"() ({
      %run_scoped3A = tpu.sem_alloc : memref<!tpu.dma_semaphore, #tpu.memory_space<semaphore_mem>>
      %dma_start3A_79 = arith.constant 0 : i32
      %dma_start3A_80 = tpu.memref_slice %arg12[%add3A_23, %dma_start3A_79] : memref<10240x128xf32, #tpu.memory_space<vmem_shared>> -> memref<128x128xf32, #tpu.memory_space<vmem_shared>>
      %dma_start3A_81 = arith.constant 0 : i32
      %dma_start3A_82 = tpu.memref_slice %arg12[%add3A_23, %dma_start3A_81] : memref<10240x128xf32, #tpu.memory_space<vmem_shared>> -> memref<128x128xf32, #tpu.memory_space<vmem_shared>>
      tpu.enqueue_dma source(%arg9 : memref<128x128xf32, #tpu.memory_space<vmem>>) target(%dma_start3A_82 : memref<128x128xf32, #tpu.memory_space<vmem_shared>>) target_semaphore(%run_scoped3A : memref<!tpu.dma_semaphore, #tpu.memory_space<semaphore_mem>>)
      %dma_wait3A_83 = arith.constant 0 : i32
      %dma_wait3A_84 = tpu.memref_slice %arg12[%add3A_23, %dma_wait3A_83] : memref<10240x128xf32, #tpu.memory_space<vmem_shared>> -> memref<128x128xf32, #tpu.memory_space<vmem_shared>>
      %dma_wait3A_85 = arith.constant 0 : i32
      %dma_wait3A_86 = tpu.memref_slice %arg12[%add3A_23, %dma_wait3A_85] : memref<10240x128xf32, #tpu.memory_space<vmem_shared>> -> memref<128x128xf32, #tpu.memory_space<vmem_shared>>
      tpu.wait_dma2 semaphore(%run_scoped3A : memref<!tpu.dma_semaphore, #tpu.memory_space<semaphore_mem>>) src(%arg9 : memref<128x128xf32, #tpu.memory_space<vmem>>) dst(%dma_wait3A_86 : memref<128x128xf32, #tpu.memory_space<vmem_shared>>)
      tpu.yield
    }) : () -> ()
    %add3A_24 = arith.constant 384 : i32
    %add3A_25 = arith.addi %mul3A_18, %add3A_24 : i32
    "tpu.region"() ({
      %run_scoped3A = tpu.sem_alloc : memref<!tpu.dma_semaphore, #tpu.memory_space<semaphore_mem>>
      %dma_start3A_79 = arith.constant 0 : i32
      %dma_start3A_80 = tpu.memref_slice %arg12[%add3A_25, %dma_start3A_79] : memref<10240x128xf32, #tpu.memory_space<vmem_shared>> -> memref<128x128xf32, #tpu.memory_space<vmem_shared>>
      %dma_start3A_81 = arith.constant 0 : i32
      %dma_start3A_82 = tpu.memref_slice %arg12[%add3A_25, %dma_start3A_81] : memref<10240x128xf32, #tpu.memory_space<vmem_shared>> -> memref<128x128xf32, #tpu.memory_space<vmem_shared>>
      tpu.enqueue_dma source(%arg9 : memref<128x128xf32, #tpu.memory_space<vmem>>) target(%dma_start3A_82 : memref<128x128xf32, #tpu.memory_space<vmem_shared>>) target_semaphore(%run_scoped3A : memref<!tpu.dma_semaphore, #tpu.memory_space<semaphore_mem>>)
      %dma_wait3A_83 = arith.constant 0 : i32
      %dma_wait3A_84 = tpu.memref_slice %arg12[%add3A_25, %dma_wait3A_83] : memref<10240x128xf32, #tpu.memory_space<vmem_shared>> -> memref<128x128xf32, #tpu.memory_space<vmem_shared>>
      %dma_wait3A_85 = arith.constant 0 : i32
      %dma_wait3A_86 = tpu.memref_slice %arg12[%add3A_25, %dma_wait3A_85] : memref<10240x128xf32, #tpu.memory_space<vmem_shared>> -> memref<128x128xf32, #tpu.memory_space<vmem_shared>>
      tpu.wait_dma2 semaphore(%run_scoped3A : memref<!tpu.dma_semaphore, #tpu.memory_space<semaphore_mem>>) src(%arg9 : memref<128x128xf32, #tpu.memory_space<vmem>>) dst(%dma_wait3A_86 : memref<128x128xf32, #tpu.memory_space<vmem_shared>>)
      tpu.yield
    }) : () -> ()
    %add3A_26 = arith.constant 512 : i32
    %add3A_27 = arith.addi %mul3A_18, %add3A_26 : i32
    "tpu.region"() ({
      %run_scoped3A = tpu.sem_alloc : memref<!tpu.dma_semaphore, #tpu.memory_space<semaphore_mem>>
      %dma_start3A_79 = arith.constant 0 : i32
      %dma_start3A_80 = tpu.memref_slice %arg12[%add3A_27, %dma_start3A_79] : memref<10240x128xf32, #tpu.memory_space<vmem_shared>> -> memref<128x128xf32, #tpu.memory_space<vmem_shared>>
      %dma_start3A_81 = arith.constant 0 : i32
      %dma_start3A_82 = tpu.memref_slice %arg12[%add3A_27, %dma_start3A_81] : memref<10240x128xf32, #tpu.memory_space<vmem_shared>> -> memref<128x128xf32, #tpu.memory_space<vmem_shared>>
      tpu.enqueue_dma source(%arg9 : memref<128x128xf32, #tpu.memory_space<vmem>>) target(%dma_start3A_82 : memref<128x128xf32, #tpu.memory_space<vmem_shared>>) target_semaphore(%run_scoped3A : memref<!tpu.dma_semaphore, #tpu.memory_space<semaphore_mem>>)
      %dma_wait3A_83 = arith.constant 0 : i32
      %dma_wait3A_84 = tpu.memref_slice %arg12[%add3A_27, %dma_wait3A_83] : memref<10240x128xf32, #tpu.memory_space<vmem_shared>> -> memref<128x128xf32, #tpu.memory_space<vmem_shared>>
      %dma_wait3A_85 = arith.constant 0 : i32
      %dma_wait3A_86 = tpu.memref_slice %arg12[%add3A_27, %dma_wait3A_85] : memref<10240x128xf32, #tpu.memory_space<vmem_shared>> -> memref<128x128xf32, #tpu.memory_space<vmem_shared>>
      tpu.wait_dma2 semaphore(%run_scoped3A : memref<!tpu.dma_semaphore, #tpu.memory_space<semaphore_mem>>) src(%arg9 : memref<128x128xf32, #tpu.memory_space<vmem>>) dst(%dma_wait3A_86 : memref<128x128xf32, #tpu.memory_space<vmem_shared>>)
      tpu.yield
    }) : () -> ()
    %barrier3A = arith.constant 0 : index
    tpu.barrier barrier_id(%barrier3A)
    %rem3A = arith.constant 0 : i32
    %rem3A_28 = arith.constant 2 : i32
    %rem3A_29 = arith.remsi %rem3A, %rem3A_28 : i32
    %mul3A_30 = arith.constant 8 : i32
    %mul3A_31 = arith.muli %rem3A_29, %mul3A_30 : i32
    %add3A_32 = arith.constant 0 : i32
    %add3A_33 = arith.addi %select_n3A_7, %add3A_32 : i32
    "tpu.region"() ({
      %run_scoped3A = tpu.sem_alloc : memref<!tpu.dma_semaphore, #tpu.memory_space<semaphore_mem>>
      %dma_start3A_79 = arith.constant 0 : i32
      %dma_start3A_80 = tpu.memref_slice %arg7[%mul3A_31, %dma_start3A_79] : memref<16x128xi32, #tpu.memory_space<vmem>> -> memref<8x128xi32, #tpu.memory_space<vmem>>
      %dma_start3A_81 = arith.constant 0 : i32
      %dma_start3A_82 = arith.constant 0 : i32
      %dma_start3A_83 = tpu.memref_slice %arg3[%arg1, %add3A_33, %dma_start3A_81, %dma_start3A_82] : memref<16x20x8x128xi32, #tpu.memory_space<hbm>> -> memref<1x1x8x128xi32, #tpu.memory_space<hbm>>
      %dma_start3A_84 = tpu.memref_squeeze %dma_start3A_83 : memref<1x1x8x128xi32, #tpu.memory_space<hbm>> -> memref<8x128xi32, #tpu.memory_space<hbm>>
      %dma_start3A_85 = arith.constant 0 : i32
      %dma_start3A_86 = tpu.memref_slice %arg7[%mul3A_31, %dma_start3A_85] : memref<16x128xi32, #tpu.memory_space<vmem>> -> memref<8x128xi32, #tpu.memory_space<vmem>>
      %dma_start3A_87 = arith.constant 0 : i32
      %dma_start3A_88 = arith.constant 0 : i32
      %dma_start3A_89 = tpu.memref_slice %arg3[%arg1, %add3A_33, %dma_start3A_87, %dma_start3A_88] : memref<16x20x8x128xi32, #tpu.memory_space<hbm>> -> memref<1x1x8x128xi32, #tpu.memory_space<hbm>>
      %dma_start3A_90 = tpu.memref_squeeze %dma_start3A_89 : memref<1x1x8x128xi32, #tpu.memory_space<hbm>> -> memref<8x128xi32, #tpu.memory_space<hbm>>
      tpu.enqueue_dma source(%dma_start3A_90 : memref<8x128xi32, #tpu.memory_space<hbm>>) target(%dma_start3A_86 : memref<8x128xi32, #tpu.memory_space<vmem>>) target_semaphore(%run_scoped3A : memref<!tpu.dma_semaphore, #tpu.memory_space<semaphore_mem>>)
      %dma_wait3A_91 = arith.constant 0 : i32
      %dma_wait3A_92 = tpu.memref_slice %arg7[%mul3A_31, %dma_wait3A_91] : memref<16x128xi32, #tpu.memory_space<vmem>> -> memref<8x128xi32, #tpu.memory_space<vmem>>
      %dma_wait3A_93 = arith.constant 0 : i32
      %dma_wait3A_94 = arith.constant 0 : i32
      %dma_wait3A_95 = tpu.memref_slice %arg3[%arg1, %add3A_33, %dma_wait3A_93, %dma_wait3A_94] : memref<16x20x8x128xi32, #tpu.memory_space<hbm>> -> memref<1x1x8x128xi32, #tpu.memory_space<hbm>>
      %dma_wait3A_96 = tpu.memref_squeeze %dma_wait3A_95 : memref<1x1x8x128xi32, #tpu.memory_space<hbm>> -> memref<8x128xi32, #tpu.memory_space<hbm>>
      %dma_wait3A_97 = arith.constant 0 : i32
      %dma_wait3A_98 = tpu.memref_slice %arg7[%mul3A_31, %dma_wait3A_97] : memref<16x128xi32, #tpu.memory_space<vmem>> -> memref<8x128xi32, #tpu.memory_space<vmem>>
      %dma_wait3A_99 = arith.constant 0 : i32
      %dma_wait3A_100 = arith.constant 0 : i32
      %dma_wait3A_101 = tpu.memref_slice %arg3[%arg1, %add3A_33, %dma_wait3A_99, %dma_wait3A_100] : memref<16x20x8x128xi32, #tpu.memory_space<hbm>> -> memref<1x1x8x128xi32, #tpu.memory_space<hbm>>
      %dma_wait3A_102 = tpu.memref_squeeze %dma_wait3A_101 : memref<1x1x8x128xi32, #tpu.memory_space<hbm>> -> memref<8x128xi32, #tpu.memory_space<hbm>>
      tpu.wait_dma2 semaphore(%run_scoped3A : memref<!tpu.dma_semaphore, #tpu.memory_space<semaphore_mem>>) src(%dma_wait3A_102 : memref<8x128xi32, #tpu.memory_space<hbm>>) dst(%dma_wait3A_98 : memref<8x128xi32, #tpu.memory_space<vmem>>)
      tpu.yield
    }) : () -> ()
    %add3A_34 = arith.constant 0 : i32
    %add3A_35 = arith.addi %select_n3A_7, %add3A_34 : i32
    "tpu.region"() ({
      %run_scoped3A = tpu.sem_alloc : memref<!tpu.dma_semaphore, #tpu.memory_space<semaphore_mem>>
      %dma_start3A_79 = arith.constant 0 : i32
      %dma_start3A_80 = tpu.memref_slice %arg8[%mul3A_31, %dma_start3A_79] : memref<16x128xi32, #tpu.memory_space<vmem>> -> memref<8x128xi32, #tpu.memory_space<vmem>>
      %dma_start3A_81 = arith.constant 0 : i32
      %dma_start3A_82 = arith.constant 0 : i32
      %dma_start3A_83 = tpu.memref_slice %arg4[%arg1, %add3A_35, %dma_start3A_81, %dma_start3A_82] : memref<16x20x8x128xi32, #tpu.memory_space<hbm>> -> memref<1x1x8x128xi32, #tpu.memory_space<hbm>>
      %dma_start3A_84 = tpu.memref_squeeze %dma_start3A_83 : memref<1x1x8x128xi32, #tpu.memory_space<hbm>> -> memref<8x128xi32, #tpu.memory_space<hbm>>
      %dma_start3A_85 = arith.constant 0 : i32
      %dma_start3A_86 = tpu.memref_slice %arg8[%mul3A_31, %dma_start3A_85] : memref<16x128xi32, #tpu.memory_space<vmem>> -> memref<8x128xi32, #tpu.memory_space<vmem>>
      %dma_start3A_87 = arith.constant 0 : i32
      %dma_start3A_88 = arith.constant 0 : i32
      %dma_start3A_89 = tpu.memref_slice %arg4[%arg1, %add3A_35, %dma_start3A_87, %dma_start3A_88] : memref<16x20x8x128xi32, #tpu.memory_space<hbm>> -> memref<1x1x8x128xi32, #tpu.memory_space<hbm>>
      %dma_start3A_90 = tpu.memref_squeeze %dma_start3A_89 : memref<1x1x8x128xi32, #tpu.memory_space<hbm>> -> memref<8x128xi32, #tpu.memory_space<hbm>>
      tpu.enqueue_dma source(%dma_start3A_90 : memref<8x128xi32, #tpu.memory_space<hbm>>) target(%dma_start3A_86 : memref<8x128xi32, #tpu.memory_space<vmem>>) target_semaphore(%run_scoped3A : memref<!tpu.dma_semaphore, #tpu.memory_space<semaphore_mem>>)
      %dma_wait3A_91 = arith.constant 0 : i32
      %dma_wait3A_92 = tpu.memref_slice %arg8[%mul3A_31, %dma_wait3A_91] : memref<16x128xi32, #tpu.memory_space<vmem>> -> memref<8x128xi32, #tpu.memory_space<vmem>>
      %dma_wait3A_93 = arith.constant 0 : i32
      %dma_wait3A_94 = arith.constant 0 : i32
      %dma_wait3A_95 = tpu.memref_slice %arg4[%arg1, %add3A_35, %dma_wait3A_93, %dma_wait3A_94] : memref<16x20x8x128xi32, #tpu.memory_space<hbm>> -> memref<1x1x8x128xi32, #tpu.memory_space<hbm>>
      %dma_wait3A_96 = tpu.memref_squeeze %dma_wait3A_95 : memref<1x1x8x128xi32, #tpu.memory_space<hbm>> -> memref<8x128xi32, #tpu.memory_space<hbm>>
      %dma_wait3A_97 = arith.constant 0 : i32
      %dma_wait3A_98 = tpu.memref_slice %arg8[%mul3A_31, %dma_wait3A_97] : memref<16x128xi32, #tpu.memory_space<vmem>> -> memref<8x128xi32, #tpu.memory_space<vmem>>
      %dma_wait3A_99 = arith.constant 0 : i32
      %dma_wait3A_100 = arith.constant 0 : i32
      %dma_wait3A_101 = tpu.memref_slice %arg4[%arg1, %add3A_35, %dma_wait3A_99, %dma_wait3A_100] : memref<16x20x8x128xi32, #tpu.memory_space<hbm>> -> memref<1x1x8x128xi32, #tpu.memory_space<hbm>>
      %dma_wait3A_102 = tpu.memref_squeeze %dma_wait3A_101 : memref<1x1x8x128xi32, #tpu.memory_space<hbm>> -> memref<8x128xi32, #tpu.memory_space<hbm>>
      tpu.wait_dma2 semaphore(%run_scoped3A : memref<!tpu.dma_semaphore, #tpu.memory_space<semaphore_mem>>) src(%dma_wait3A_102 : memref<8x128xi32, #tpu.memory_space<hbm>>) dst(%dma_wait3A_98 : memref<8x128xi32, #tpu.memory_space<vmem>>)
      tpu.yield
    }) : () -> ()
    %rem3A_36 = arith.constant 1 : i32
    %rem3A_37 = arith.constant 2 : i32
    %rem3A_38 = arith.remsi %rem3A_36, %rem3A_37 : i32
    %mul3A_39 = arith.constant 8 : i32
    %mul3A_40 = arith.muli %rem3A_38, %mul3A_39 : i32
    %add3A_41 = arith.constant 1 : i32
    %add3A_42 = arith.addi %select_n3A_7, %add3A_41 : i32
    "tpu.region"() ({
      %run_scoped3A = tpu.sem_alloc : memref<!tpu.dma_semaphore, #tpu.memory_space<semaphore_mem>>
      %dma_start3A_79 = arith.constant 0 : i32
      %dma_start3A_80 = tpu.memref_slice %arg7[%mul3A_40, %dma_start3A_79] : memref<16x128xi32, #tpu.memory_space<vmem>> -> memref<8x128xi32, #tpu.memory_space<vmem>>
      %dma_start3A_81 = arith.constant 0 : i32
      %dma_start3A_82 = arith.constant 0 : i32
      %dma_start3A_83 = tpu.memref_slice %arg3[%arg1, %add3A_42, %dma_start3A_81, %dma_start3A_82] : memref<16x20x8x128xi32, #tpu.memory_space<hbm>> -> memref<1x1x8x128xi32, #tpu.memory_space<hbm>>
      %dma_start3A_84 = tpu.memref_squeeze %dma_start3A_83 : memref<1x1x8x128xi32, #tpu.memory_space<hbm>> -> memref<8x128xi32, #tpu.memory_space<hbm>>
      %dma_start3A_85 = arith.constant 0 : i32
      %dma_start3A_86 = tpu.memref_slice %arg7[%mul3A_40, %dma_start3A_85] : memref<16x128xi32, #tpu.memory_space<vmem>> -> memref<8x128xi32, #tpu.memory_space<vmem>>
      %dma_start3A_87 = arith.constant 0 : i32
      %dma_start3A_88 = arith.constant 0 : i32
      %dma_start3A_89 = tpu.memref_slice %arg3[%arg1, %add3A_42, %dma_start3A_87, %dma_start3A_88] : memref<16x20x8x128xi32, #tpu.memory_space<hbm>> -> memref<1x1x8x128xi32, #tpu.memory_space<hbm>>
      %dma_start3A_90 = tpu.memref_squeeze %dma_start3A_89 : memref<1x1x8x128xi32, #tpu.memory_space<hbm>> -> memref<8x128xi32, #tpu.memory_space<hbm>>
      tpu.enqueue_dma source(%dma_start3A_90 : memref<8x128xi32, #tpu.memory_space<hbm>>) target(%dma_start3A_86 : memref<8x128xi32, #tpu.memory_space<vmem>>) target_semaphore(%run_scoped3A : memref<!tpu.dma_semaphore, #tpu.memory_space<semaphore_mem>>)
      %dma_wait3A_91 = arith.constant 0 : i32
      %dma_wait3A_92 = tpu.memref_slice %arg7[%mul3A_40, %dma_wait3A_91] : memref<16x128xi32, #tpu.memory_space<vmem>> -> memref<8x128xi32, #tpu.memory_space<vmem>>
      %dma_wait3A_93 = arith.constant 0 : i32
      %dma_wait3A_94 = arith.constant 0 : i32
      %dma_wait3A_95 = tpu.memref_slice %arg3[%arg1, %add3A_42, %dma_wait3A_93, %dma_wait3A_94] : memref<16x20x8x128xi32, #tpu.memory_space<hbm>> -> memref<1x1x8x128xi32, #tpu.memory_space<hbm>>
      %dma_wait3A_96 = tpu.memref_squeeze %dma_wait3A_95 : memref<1x1x8x128xi32, #tpu.memory_space<hbm>> -> memref<8x128xi32, #tpu.memory_space<hbm>>
      %dma_wait3A_97 = arith.constant 0 : i32
      %dma_wait3A_98 = tpu.memref_slice %arg7[%mul3A_40, %dma_wait3A_97] : memref<16x128xi32, #tpu.memory_space<vmem>> -> memref<8x128xi32, #tpu.memory_space<vmem>>
      %dma_wait3A_99 = arith.constant 0 : i32
      %dma_wait3A_100 = arith.constant 0 : i32
      %dma_wait3A_101 = tpu.memref_slice %arg3[%arg1, %add3A_42, %dma_wait3A_99, %dma_wait3A_100] : memref<16x20x8x128xi32, #tpu.memory_space<hbm>> -> memref<1x1x8x128xi32, #tpu.memory_space<hbm>>
      %dma_wait3A_102 = tpu.memref_squeeze %dma_wait3A_101 : memref<1x1x8x128xi32, #tpu.memory_space<hbm>> -> memref<8x128xi32, #tpu.memory_space<hbm>>
      tpu.wait_dma2 semaphore(%run_scoped3A : memref<!tpu.dma_semaphore, #tpu.memory_space<semaphore_mem>>) src(%dma_wait3A_102 : memref<8x128xi32, #tpu.memory_space<hbm>>) dst(%dma_wait3A_98 : memref<8x128xi32, #tpu.memory_space<vmem>>)
      tpu.yield
    }) : () -> ()
    %add3A_43 = arith.constant 1 : i32
    %add3A_44 = arith.addi %select_n3A_7, %add3A_43 : i32
    "tpu.region"() ({
      %run_scoped3A = tpu.sem_alloc : memref<!tpu.dma_semaphore, #tpu.memory_space<semaphore_mem>>
      %dma_start3A_79 = arith.constant 0 : i32
      %dma_start3A_80 = tpu.memref_slice %arg8[%mul3A_40, %dma_start3A_79] : memref<16x128xi32, #tpu.memory_space<vmem>> -> memref<8x128xi32, #tpu.memory_space<vmem>>
      %dma_start3A_81 = arith.constant 0 : i32
      %dma_start3A_82 = arith.constant 0 : i32
      %dma_start3A_83 = tpu.memref_slice %arg4[%arg1, %add3A_44, %dma_start3A_81, %dma_start3A_82] : memref<16x20x8x128xi32, #tpu.memory_space<hbm>> -> memref<1x1x8x128xi32, #tpu.memory_space<hbm>>
      %dma_start3A_84 = tpu.memref_squeeze %dma_start3A_83 : memref<1x1x8x128xi32, #tpu.memory_space<hbm>> -> memref<8x128xi32, #tpu.memory_space<hbm>>
      %dma_start3A_85 = arith.constant 0 : i32
      %dma_start3A_86 = tpu.memref_slice %arg8[%mul3A_40, %dma_start3A_85] : memref<16x128xi32, #tpu.memory_space<vmem>> -> memref<8x128xi32, #tpu.memory_space<vmem>>
      %dma_start3A_87 = arith.constant 0 : i32
      %dma_start3A_88 = arith.constant 0 : i32
      %dma_start3A_89 = tpu.memref_slice %arg4[%arg1, %add3A_44, %dma_start3A_87, %dma_start3A_88] : memref<16x20x8x128xi32, #tpu.memory_space<hbm>> -> memref<1x1x8x128xi32, #tpu.memory_space<hbm>>
      %dma_start3A_90 = tpu.memref_squeeze %dma_start3A_89 : memref<1x1x8x128xi32, #tpu.memory_space<hbm>> -> memref<8x128xi32, #tpu.memory_space<hbm>>
      tpu.enqueue_dma source(%dma_start3A_90 : memref<8x128xi32, #tpu.memory_space<hbm>>) target(%dma_start3A_86 : memref<8x128xi32, #tpu.memory_space<vmem>>) target_semaphore(%run_scoped3A : memref<!tpu.dma_semaphore, #tpu.memory_space<semaphore_mem>>)
      %dma_wait3A_91 = arith.constant 0 : i32
      %dma_wait3A_92 = tpu.memref_slice %arg8[%mul3A_40, %dma_wait3A_91] : memref<16x128xi32, #tpu.memory_space<vmem>> -> memref<8x128xi32, #tpu.memory_space<vmem>>
      %dma_wait3A_93 = arith.constant 0 : i32
      %dma_wait3A_94 = arith.constant 0 : i32
      %dma_wait3A_95 = tpu.memref_slice %arg4[%arg1, %add3A_44, %dma_wait3A_93, %dma_wait3A_94] : memref<16x20x8x128xi32, #tpu.memory_space<hbm>> -> memref<1x1x8x128xi32, #tpu.memory_space<hbm>>
      %dma_wait3A_96 = tpu.memref_squeeze %dma_wait3A_95 : memref<1x1x8x128xi32, #tpu.memory_space<hbm>> -> memref<8x128xi32, #tpu.memory_space<hbm>>
      %dma_wait3A_97 = arith.constant 0 : i32
      %dma_wait3A_98 = tpu.memref_slice %arg8[%mul3A_40, %dma_wait3A_97] : memref<16x128xi32, #tpu.memory_space<vmem>> -> memref<8x128xi32, #tpu.memory_space<vmem>>
      %dma_wait3A_99 = arith.constant 0 : i32
      %dma_wait3A_100 = arith.constant 0 : i32
      %dma_wait3A_101 = tpu.memref_slice %arg4[%arg1, %add3A_44, %dma_wait3A_99, %dma_wait3A_100] : memref<16x20x8x128xi32, #tpu.memory_space<hbm>> -> memref<1x1x8x128xi32, #tpu.memory_space<hbm>>
      %dma_wait3A_102 = tpu.memref_squeeze %dma_wait3A_101 : memref<1x1x8x128xi32, #tpu.memory_space<hbm>> -> memref<8x128xi32, #tpu.memory_space<hbm>>
      tpu.wait_dma2 semaphore(%run_scoped3A : memref<!tpu.dma_semaphore, #tpu.memory_space<semaphore_mem>>) src(%dma_wait3A_102 : memref<8x128xi32, #tpu.memory_space<hbm>>) dst(%dma_wait3A_98 : memref<8x128xi32, #tpu.memory_space<vmem>>)
      tpu.yield
    }) : () -> ()
    %rem3A_45 = arith.constant 0 : i32
    %rem3A_46 = arith.constant 16 : i32
    %rem3A_47 = arith.remsi %rem3A_45, %rem3A_46 : i32
    %dma_start3A = arith.constant 0 : i32
    %dma_start3A_48 = tpu.memref_slice %arg7[%rem3A_47, %dma_start3A] : memref<16x128xi32, #tpu.memory_space<vmem>> -> memref<1x128xi32, #tpu.memory_space<vmem>>
    %dma_start3A_49 = tpu.memref_squeeze %dma_start3A_48 : memref<1x128xi32, #tpu.memory_space<vmem>> -> memref<128xi32, #tpu.memory_space<vmem>>
    %dma_start3A_50 = arith.constant 0 : i32
    %dma_start3A_51 = arith.constant 0 : i32
    %dma_start3A_52 = tpu.memref_slice %arg2[%dma_start3A_50, %dma_start3A_51] : memref<10000x128xf32, #tpu.memory_space<hbm>> -> memref<10000x128xf32, #tpu.memory_space<hbm>>
    tpu.enqueue_indirect_dma source(%dma_start3A_52 : memref<10000x128xf32, #tpu.memory_space<hbm>>) target(%arg9 : memref<128x128xf32, #tpu.memory_space<vmem>>) offsets(%dma_start3A_49 : memref<128xi32, #tpu.memory_space<vmem>>) semaphore(%arg13 : memref<!tpu.dma_semaphore, #tpu.memory_space<semaphore_mem>>)
    %sub3A = arith.constant 0 : i32
    %sub3A_53 = arith.subi %select_n3A_2, %sub3A : i32
    %sub3A_54 = arith.constant 2 : i32
    %sub3A_55 = arith.constant 1 : i32
    %sub3A_56 = arith.subi %sub3A_54, %sub3A_55 : i32
    %add3A_57 = arith.addi %sub3A_53, %sub3A_56 : i32
    %div3A = arith.constant 2 : i32
    %div3A_58 = arith.divsi %add3A_57, %div3A : i32
    %while3A = arith.constant 2 : i32
    %while3A_59 = arith.constant 0 : i32
    %while3A_60 = arith.constant 0 : i32
    %while3A_61 = arith.subi %div3A_58, %while3A_60 : i32
    %while3A_62 = arith.addi %while3A_60, %while3A_61 : i32
    %while3A_63 = arith.constant 1 : i32
    %while3A_64 = arith.divsi %while3A_61, %while3A_63 : i32
    %while3A_65 = arith.muli %while3A_64, %while3A_63 : i32
    %while3A_66 = arith.addi %while3A_60, %while3A_65 : i32
    %while3A_67 = arith.constant 1 : i32
    scf.for %while3A_79 = %while3A_60 to %while3A_66 step %while3A_67  : i32 {
      %mul3A_80 = arith.muli %while3A_79, %while3A : i32
      %add3A_81 = arith.addi %while3A_59, %mul3A_80 : i32
      %rem3A_82 = arith.constant 16 : i32
      %rem3A_83 = arith.remsi %add3A_81, %rem3A_82 : i32
      %dma_wait3A_84 = arith.constant 0 : i32
      %dma_wait3A_85 = tpu.memref_slice %arg7[%rem3A_83, %dma_wait3A_84] : memref<16x128xi32, #tpu.memory_space<vmem>> -> memref<1x128xi32, #tpu.memory_space<vmem>>
      %dma_wait3A_86 = tpu.memref_squeeze %dma_wait3A_85 : memref<1x128xi32, #tpu.memory_space<vmem>> -> memref<128xi32, #tpu.memory_space<vmem>>
      %dma_wait3A_87 = arith.constant 0 : i32
      %dma_wait3A_88 = arith.constant 0 : i32
      %dma_wait3A_89 = tpu.memref_slice %arg2[%dma_wait3A_87, %dma_wait3A_88] : memref<10000x128xf32, #tpu.memory_space<hbm>> -> memref<10000x128xf32, #tpu.memory_space<hbm>>
      tpu.wait_indirect_dma semaphore(%arg13 : memref<!tpu.dma_semaphore, #tpu.memory_space<semaphore_mem>>) src(%dma_wait3A_89 : memref<10000x128xf32, #tpu.memory_space<hbm>>) dst(%arg9 : memref<128x128xf32, #tpu.memory_space<vmem>>)
      %rem3A_90 = arith.constant 16 : i32
      %rem3A_91 = arith.remsi %add3A_81, %rem3A_90 : i32
      %dma_start3A_92 = arith.constant 0 : i32
      %dma_start3A_93 = tpu.memref_slice %arg8[%rem3A_91, %dma_start3A_92] : memref<16x128xi32, #tpu.memory_space<vmem>> -> memref<1x128xi32, #tpu.memory_space<vmem>>
      %dma_start3A_94 = tpu.memref_squeeze %dma_start3A_93 : memref<1x128xi32, #tpu.memory_space<vmem>> -> memref<128xi32, #tpu.memory_space<vmem>>
      %dma_start3A_95 = arith.constant 0 : i32
      %dma_start3A_96 = arith.constant 0 : i32
      %dma_start3A_97 = tpu.memref_slice %arg12[%dma_start3A_95, %dma_start3A_96] : memref<10240x128xf32, #tpu.memory_space<vmem_shared>> -> memref<10240x128xf32, #tpu.memory_space<vmem_shared>>
      tpu.enqueue_indirect_dma source(%arg9 : memref<128x128xf32, #tpu.memory_space<vmem>>) target(%dma_start3A_97 : memref<10240x128xf32, #tpu.memory_space<vmem_shared>>) offsets(%dma_start3A_94 : memref<128xi32, #tpu.memory_space<vmem>>) semaphore(%arg15 : memref<!tpu.dma_semaphore, #tpu.memory_space<semaphore_mem>>) {add = true}
      %gt3A = arith.constant 0 : i32
      %gt3A_98 = arith.cmpi sgt, %add3A_81, %gt3A : i32
      %convert_element_type3A = arith.extui %gt3A_98 : i1 to i32
      %cond3A = arith.constant 0 : i32
      %cond3A_99 = arith.cmpi ne, %convert_element_type3A, %cond3A : i32
      scf.if %cond3A_99 {
        %sub3A_207 = arith.constant 1 : i32
        %sub3A_208 = arith.subi %add3A_81, %sub3A_207 : i32
        %rem3A_209 = arith.constant 16 : i32
        %rem3A_210 = arith.remsi %sub3A_208, %rem3A_209 : i32
        %dma_wait3A_211 = arith.constant 0 : i32
        %dma_wait3A_212 = tpu.memref_slice %arg8[%rem3A_210, %dma_wait3A_211] : memref<16x128xi32, #tpu.memory_space<vmem>> -> memref<1x128xi32, #tpu.memory_space<vmem>>
        %dma_wait3A_213 = tpu.memref_squeeze %dma_wait3A_212 : memref<1x128xi32, #tpu.memory_space<vmem>> -> memref<128xi32, #tpu.memory_space<vmem>>
        %dma_wait3A_214 = arith.constant 0 : i32
        %dma_wait3A_215 = arith.constant 0 : i32
        %dma_wait3A_216 = tpu.memref_slice %arg12[%dma_wait3A_214, %dma_wait3A_215] : memref<10240x128xf32, #tpu.memory_space<vmem_shared>> -> memref<10240x128xf32, #tpu.memory_space<vmem_shared>>
        tpu.wait_indirect_dma semaphore(%arg16 : memref<!tpu.dma_semaphore, #tpu.memory_space<semaphore_mem>>) src(%arg10 : memref<128x128xf32, #tpu.memory_space<vmem>>) dst(%dma_wait3A_216 : memref<10240x128xf32, #tpu.memory_space<vmem_shared>>)
      } else {
      }
      %add3A_100 = arith.constant 4 : i32
      %add3A_101 = arith.addi %add3A_81, %add3A_100 : i32
      %rem3A_102 = arith.constant 8 : i32
      %rem3A_103 = arith.remsi %add3A_101, %rem3A_102 : i32
      %eq3A_104 = arith.constant 0 : i32
      %eq3A_105 = arith.cmpi eq, %rem3A_103, %eq3A_104 : i32
      %add3A_106 = arith.constant 4 : i32
      %add3A_107 = arith.addi %add3A_81, %add3A_106 : i32
      %ge3A = arith.constant 16 : i32
      %ge3A_108 = arith.cmpi sge, %add3A_107, %ge3A : i32
      %and3A = arith.andi %eq3A_105, %ge3A_108 : i1
      %add3A_109 = arith.constant 4 : i32
      %add3A_110 = arith.addi %add3A_81, %add3A_109 : i32
      %lt3A = arith.cmpi slt, %add3A_110, %select_n3A_2 : i32
      %and3A_111 = arith.andi %and3A, %lt3A : i1
      %convert_element_type3A_112 = arith.extui %and3A_111 : i1 to i32
      %cond3A_113 = arith.constant 0 : i32
      %cond3A_114 = arith.cmpi ne, %convert_element_type3A_112, %cond3A_113 : i32
      scf.if %cond3A_114 {
        %add3A_207 = arith.constant 4 : i32
        %add3A_208 = arith.addi %add3A_81, %add3A_207 : i32
        %jit3A = arith.constant 8 : i32
        %div3A_209 = arith.divsi %add3A_208, %jit3A : i32
        %sign3A = arith.constant 0 : i32
        %sign3A_210 = arith.cmpi sgt, %add3A_208, %sign3A : i32
        %sign3A_211 = arith.extui %sign3A_210 : i1 to i32
        %sign3A_212 = arith.constant 0 : i32
        %sign3A_213 = arith.cmpi slt, %add3A_208, %sign3A_212 : i32
        %sign3A_214 = arith.extui %sign3A_213 : i1 to i32
        %sign3A_215 = arith.subi %sign3A_211, %sign3A_214 : i32
        %sign3A_216 = arith.constant 0 : i32
        %sign3A_217 = arith.cmpi sgt, %jit3A, %sign3A_216 : i32
        %sign3A_218 = arith.extui %sign3A_217 : i1 to i32
        %sign3A_219 = arith.constant 0 : i32
        %sign3A_220 = arith.cmpi slt, %jit3A, %sign3A_219 : i32
        %sign3A_221 = arith.extui %sign3A_220 : i1 to i32
        %sign3A_222 = arith.subi %sign3A_218, %sign3A_221 : i32
        %ne3A = arith.cmpi ne, %sign3A_215, %sign3A_222 : i32
        %rem3A_223 = arith.remsi %add3A_208, %jit3A : i32
        %ne3A_224 = arith.constant 0 : i32
        %ne3A_225 = arith.cmpi ne, %rem3A_223, %ne3A_224 : i32
        %and3A_226 = arith.andi %ne3A, %ne3A_225 : i1
        %sub3A_227 = arith.constant 1 : i32
        %sub3A_228 = arith.subi %div3A_209, %sub3A_227 : i32
        %select_n3A_229 = arith.select %and3A_226, %sub3A_228, %div3A_209 : i32
        %rem3A_230 = arith.constant 2 : i32
        %rem3A_231 = arith.remsi %select_n3A_229, %rem3A_230 : i32
        %mul3A_232 = arith.constant 8 : i32
        %mul3A_233 = arith.muli %rem3A_231, %mul3A_232 : i32
        %add3A_234 = arith.addi %select_n3A_7, %select_n3A_229 : i32
        %dma_start3A_235 = arith.constant 0 : i32
        %dma_start3A_236 = tpu.memref_slice %arg7[%mul3A_233, %dma_start3A_235] : memref<16x128xi32, #tpu.memory_space<vmem>> -> memref<8x128xi32, #tpu.memory_space<vmem>>
        %dma_start3A_237 = arith.constant 0 : i32
        %dma_start3A_238 = arith.constant 0 : i32
        %dma_start3A_239 = tpu.memref_slice %arg3[%arg1, %add3A_234, %dma_start3A_237, %dma_start3A_238] : memref<16x20x8x128xi32, #tpu.memory_space<hbm>> -> memref<1x1x8x128xi32, #tpu.memory_space<hbm>>
        %dma_start3A_240 = tpu.memref_squeeze %dma_start3A_239 : memref<1x1x8x128xi32, #tpu.memory_space<hbm>> -> memref<8x128xi32, #tpu.memory_space<hbm>>
        %dma_start3A_241 = arith.constant 0 : i32
        %dma_start3A_242 = tpu.memref_slice %arg7[%mul3A_233, %dma_start3A_241] : memref<16x128xi32, #tpu.memory_space<vmem>> -> memref<8x128xi32, #tpu.memory_space<vmem>>
        %dma_start3A_243 = arith.constant 0 : i32
        %dma_start3A_244 = arith.constant 0 : i32
        %dma_start3A_245 = tpu.memref_slice %arg3[%arg1, %add3A_234, %dma_start3A_243, %dma_start3A_244] : memref<16x20x8x128xi32, #tpu.memory_space<hbm>> -> memref<1x1x8x128xi32, #tpu.memory_space<hbm>>
        %dma_start3A_246 = tpu.memref_squeeze %dma_start3A_245 : memref<1x1x8x128xi32, #tpu.memory_space<hbm>> -> memref<8x128xi32, #tpu.memory_space<hbm>>
        tpu.enqueue_dma source(%dma_start3A_246 : memref<8x128xi32, #tpu.memory_space<hbm>>) target(%dma_start3A_242 : memref<8x128xi32, #tpu.memory_space<vmem>>) target_semaphore(%arg17 : memref<!tpu.dma_semaphore, #tpu.memory_space<semaphore_mem>>)
        %add3A_247 = arith.addi %select_n3A_7, %select_n3A_229 : i32
        %dma_start3A_248 = arith.constant 0 : i32
        %dma_start3A_249 = tpu.memref_slice %arg8[%mul3A_233, %dma_start3A_248] : memref<16x128xi32, #tpu.memory_space<vmem>> -> memref<8x128xi32, #tpu.memory_space<vmem>>
        %dma_start3A_250 = arith.constant 0 : i32
        %dma_start3A_251 = arith.constant 0 : i32
        %dma_start3A_252 = tpu.memref_slice %arg4[%arg1, %add3A_247, %dma_start3A_250, %dma_start3A_251] : memref<16x20x8x128xi32, #tpu.memory_space<hbm>> -> memref<1x1x8x128xi32, #tpu.memory_space<hbm>>
        %dma_start3A_253 = tpu.memref_squeeze %dma_start3A_252 : memref<1x1x8x128xi32, #tpu.memory_space<hbm>> -> memref<8x128xi32, #tpu.memory_space<hbm>>
        %dma_start3A_254 = arith.constant 0 : i32
        %dma_start3A_255 = tpu.memref_slice %arg8[%mul3A_233, %dma_start3A_254] : memref<16x128xi32, #tpu.memory_space<vmem>> -> memref<8x128xi32, #tpu.memory_space<vmem>>
        %dma_start3A_256 = arith.constant 0 : i32
        %dma_start3A_257 = arith.constant 0 : i32
        %dma_start3A_258 = tpu.memref_slice %arg4[%arg1, %add3A_247, %dma_start3A_256, %dma_start3A_257] : memref<16x20x8x128xi32, #tpu.memory_space<hbm>> -> memref<1x1x8x128xi32, #tpu.memory_space<hbm>>
        %dma_start3A_259 = tpu.memref_squeeze %dma_start3A_258 : memref<1x1x8x128xi32, #tpu.memory_space<hbm>> -> memref<8x128xi32, #tpu.memory_space<hbm>>
        tpu.enqueue_dma source(%dma_start3A_259 : memref<8x128xi32, #tpu.memory_space<hbm>>) target(%dma_start3A_255 : memref<8x128xi32, #tpu.memory_space<vmem>>) target_semaphore(%arg17 : memref<!tpu.dma_semaphore, #tpu.memory_space<semaphore_mem>>)
      } else {
      }
      %add3A_115 = arith.constant 1 : i32
      %add3A_116 = arith.addi %add3A_81, %add3A_115 : i32
      %rem3A_117 = arith.constant 8 : i32
      %rem3A_118 = arith.remsi %add3A_116, %rem3A_117 : i32
      %eq3A_119 = arith.constant 0 : i32
      %eq3A_120 = arith.cmpi eq, %rem3A_118, %eq3A_119 : i32
      %add3A_121 = arith.constant 1 : i32
      %add3A_122 = arith.addi %add3A_81, %add3A_121 : i32
      %ge3A_123 = arith.constant 16 : i32
      %ge3A_124 = arith.cmpi sge, %add3A_122, %ge3A_123 : i32
      %and3A_125 = arith.andi %eq3A_120, %ge3A_124 : i1
      %convert_element_type3A_126 = arith.extui %and3A_125 : i1 to i32
      %cond3A_127 = arith.constant 0 : i32
      %cond3A_128 = arith.cmpi ne, %convert_element_type3A_126, %cond3A_127 : i32
      scf.if %cond3A_128 {
        %add3A_207 = arith.constant 1 : i32
        %add3A_208 = arith.addi %add3A_81, %add3A_207 : i32
        %jit3A = arith.constant 8 : i32
        %div3A_209 = arith.divsi %add3A_208, %jit3A : i32
        %sign3A = arith.constant 0 : i32
        %sign3A_210 = arith.cmpi sgt, %add3A_208, %sign3A : i32
        %sign3A_211 = arith.extui %sign3A_210 : i1 to i32
        %sign3A_212 = arith.constant 0 : i32
        %sign3A_213 = arith.cmpi slt, %add3A_208, %sign3A_212 : i32
        %sign3A_214 = arith.extui %sign3A_213 : i1 to i32
        %sign3A_215 = arith.subi %sign3A_211, %sign3A_214 : i32
        %sign3A_216 = arith.constant 0 : i32
        %sign3A_217 = arith.cmpi sgt, %jit3A, %sign3A_216 : i32
        %sign3A_218 = arith.extui %sign3A_217 : i1 to i32
        %sign3A_219 = arith.constant 0 : i32
        %sign3A_220 = arith.cmpi slt, %jit3A, %sign3A_219 : i32
        %sign3A_221 = arith.extui %sign3A_220 : i1 to i32
        %sign3A_222 = arith.subi %sign3A_218, %sign3A_221 : i32
        %ne3A = arith.cmpi ne, %sign3A_215, %sign3A_222 : i32
        %rem3A_223 = arith.remsi %add3A_208, %jit3A : i32
        %ne3A_224 = arith.constant 0 : i32
        %ne3A_225 = arith.cmpi ne, %rem3A_223, %ne3A_224 : i32
        %and3A_226 = arith.andi %ne3A, %ne3A_225 : i1
        %sub3A_227 = arith.constant 1 : i32
        %sub3A_228 = arith.subi %div3A_209, %sub3A_227 : i32
        %select_n3A_229 = arith.select %and3A_226, %sub3A_228, %div3A_209 : i32
        %rem3A_230 = arith.constant 2 : i32
        %rem3A_231 = arith.remsi %select_n3A_229, %rem3A_230 : i32
        %mul3A_232 = arith.constant 8 : i32
        %mul3A_233 = arith.muli %rem3A_231, %mul3A_232 : i32
        %add3A_234 = arith.addi %select_n3A_7, %select_n3A_229 : i32
        %dma_wait3A_235 = arith.constant 0 : i32
        %dma_wait3A_236 = tpu.memref_slice %arg7[%mul3A_233, %dma_wait3A_235] : memref<16x128xi32, #tpu.memory_space<vmem>> -> memref<8x128xi32, #tpu.memory_space<vmem>>
        %dma_wait3A_237 = arith.constant 0 : i32
        %dma_wait3A_238 = arith.constant 0 : i32
        %dma_wait3A_239 = tpu.memref_slice %arg3[%arg1, %add3A_234, %dma_wait3A_237, %dma_wait3A_238] : memref<16x20x8x128xi32, #tpu.memory_space<hbm>> -> memref<1x1x8x128xi32, #tpu.memory_space<hbm>>
        %dma_wait3A_240 = tpu.memref_squeeze %dma_wait3A_239 : memref<1x1x8x128xi32, #tpu.memory_space<hbm>> -> memref<8x128xi32, #tpu.memory_space<hbm>>
        %dma_wait3A_241 = arith.constant 0 : i32
        %dma_wait3A_242 = tpu.memref_slice %arg7[%mul3A_233, %dma_wait3A_241] : memref<16x128xi32, #tpu.memory_space<vmem>> -> memref<8x128xi32, #tpu.memory_space<vmem>>
        %dma_wait3A_243 = arith.constant 0 : i32
        %dma_wait3A_244 = arith.constant 0 : i32
        %dma_wait3A_245 = tpu.memref_slice %arg3[%arg1, %add3A_234, %dma_wait3A_243, %dma_wait3A_244] : memref<16x20x8x128xi32, #tpu.memory_space<hbm>> -> memref<1x1x8x128xi32, #tpu.memory_space<hbm>>
        %dma_wait3A_246 = tpu.memref_squeeze %dma_wait3A_245 : memref<1x1x8x128xi32, #tpu.memory_space<hbm>> -> memref<8x128xi32, #tpu.memory_space<hbm>>
        tpu.wait_dma2 semaphore(%arg17 : memref<!tpu.dma_semaphore, #tpu.memory_space<semaphore_mem>>) src(%dma_wait3A_246 : memref<8x128xi32, #tpu.memory_space<hbm>>) dst(%dma_wait3A_242 : memref<8x128xi32, #tpu.memory_space<vmem>>)
        %add3A_247 = arith.addi %select_n3A_7, %select_n3A_229 : i32
        %dma_wait3A_248 = arith.constant 0 : i32
        %dma_wait3A_249 = tpu.memref_slice %arg8[%mul3A_233, %dma_wait3A_248] : memref<16x128xi32, #tpu.memory_space<vmem>> -> memref<8x128xi32, #tpu.memory_space<vmem>>
        %dma_wait3A_250 = arith.constant 0 : i32
        %dma_wait3A_251 = arith.constant 0 : i32
        %dma_wait3A_252 = tpu.memref_slice %arg4[%arg1, %add3A_247, %dma_wait3A_250, %dma_wait3A_251] : memref<16x20x8x128xi32, #tpu.memory_space<hbm>> -> memref<1x1x8x128xi32, #tpu.memory_space<hbm>>
        %dma_wait3A_253 = tpu.memref_squeeze %dma_wait3A_252 : memref<1x1x8x128xi32, #tpu.memory_space<hbm>> -> memref<8x128xi32, #tpu.memory_space<hbm>>
        %dma_wait3A_254 = arith.constant 0 : i32
        %dma_wait3A_255 = tpu.memref_slice %arg8[%mul3A_233, %dma_wait3A_254] : memref<16x128xi32, #tpu.memory_space<vmem>> -> memref<8x128xi32, #tpu.memory_space<vmem>>
        %dma_wait3A_256 = arith.constant 0 : i32
        %dma_wait3A_257 = arith.constant 0 : i32
        %dma_wait3A_258 = tpu.memref_slice %arg4[%arg1, %add3A_247, %dma_wait3A_256, %dma_wait3A_257] : memref<16x20x8x128xi32, #tpu.memory_space<hbm>> -> memref<1x1x8x128xi32, #tpu.memory_space<hbm>>
        %dma_wait3A_259 = tpu.memref_squeeze %dma_wait3A_258 : memref<1x1x8x128xi32, #tpu.memory_space<hbm>> -> memref<8x128xi32, #tpu.memory_space<hbm>>
        tpu.wait_dma2 semaphore(%arg17 : memref<!tpu.dma_semaphore, #tpu.memory_space<semaphore_mem>>) src(%dma_wait3A_259 : memref<8x128xi32, #tpu.memory_space<hbm>>) dst(%dma_wait3A_255 : memref<8x128xi32, #tpu.memory_space<vmem>>)
      } else {
      }
      %add3A_129 = arith.constant 1 : i32
      %add3A_130 = arith.addi %add3A_81, %add3A_129 : i32
      %rem3A_131 = arith.constant 16 : i32
      %rem3A_132 = arith.remsi %add3A_130, %rem3A_131 : i32
      %dma_start3A_133 = arith.constant 0 : i32
      %dma_start3A_134 = tpu.memref_slice %arg7[%rem3A_132, %dma_start3A_133] : memref<16x128xi32, #tpu.memory_space<vmem>> -> memref<1x128xi32, #tpu.memory_space<vmem>>
      %dma_start3A_135 = tpu.memref_squeeze %dma_start3A_134 : memref<1x128xi32, #tpu.memory_space<vmem>> -> memref<128xi32, #tpu.memory_space<vmem>>
      %dma_start3A_136 = arith.constant 0 : i32
      %dma_start3A_137 = arith.constant 0 : i32
      %dma_start3A_138 = tpu.memref_slice %arg2[%dma_start3A_136, %dma_start3A_137] : memref<10000x128xf32, #tpu.memory_space<hbm>> -> memref<10000x128xf32, #tpu.memory_space<hbm>>
      tpu.enqueue_indirect_dma source(%dma_start3A_138 : memref<10000x128xf32, #tpu.memory_space<hbm>>) target(%arg10 : memref<128x128xf32, #tpu.memory_space<vmem>>) offsets(%dma_start3A_135 : memref<128xi32, #tpu.memory_space<vmem>>) semaphore(%arg14 : memref<!tpu.dma_semaphore, #tpu.memory_space<semaphore_mem>>)
      %rem3A_139 = arith.constant 16 : i32
      %rem3A_140 = arith.remsi %add3A_81, %rem3A_139 : i32
      %scan3A_141 = arith.constant 0 : i32
      %scan3A_142 = arith.constant 8 : i32
      %scan3A_143 = arith.addi %scan3A_141, %scan3A_142 : i32
      %scan3A_144 = arith.constant 1 : i32
      scf.for %scan3A_207 = %scan3A_141 to %scan3A_143 step %scan3A_144  : i32 {
        %mul3A_208 = arith.constant 16 : i32
        %mul3A_209 = arith.muli %scan3A_207, %mul3A_208 : i32
        %add3A_210 = arith.constant 0 : i32
        %add3A_211 = arith.addi %add3A_210, %mul3A_209 : i32
        %get3A = arith.index_cast %rem3A_140 : i32 to index
        %get3A_212 = arith.index_cast %add3A_211 : i32 to index
        %get3A_213 = tpu.vector_load %arg8[%get3A, %get3A_212] {strides = array<i32>} : memref<16x128xi32, #tpu.memory_space<vmem>>, vector<16xi32>,
        tpu.vector_store_idx %arg11[%get3A_213], %broadcast_in_dim3A_8 {add = true} : memref<10240xf32, #tpu.memory_space<vmem>>[vector<16xi32>], vector<16xf32>,
      }
      %scan3A_145 = arith.constant 8 : i32
      %add3A_146 = arith.constant 1 : i32
      %add3A_147 = arith.addi %add3A_81, %add3A_146 : i32
      %rem3A_148 = arith.constant 16 : i32
      %rem3A_149 = arith.remsi %add3A_147, %rem3A_148 : i32
      %dma_wait3A_150 = arith.constant 0 : i32
      %dma_wait3A_151 = tpu.memref_slice %arg7[%rem3A_149, %dma_wait3A_150] : memref<16x128xi32, #tpu.memory_space<vmem>> -> memref<1x128xi32, #tpu.memory_space<vmem>>
      %dma_wait3A_152 = tpu.memref_squeeze %dma_wait3A_151 : memref<1x128xi32, #tpu.memory_space<vmem>> -> memref<128xi32, #tpu.memory_space<vmem>>
      %dma_wait3A_153 = arith.constant 0 : i32
      %dma_wait3A_154 = arith.constant 0 : i32
      %dma_wait3A_155 = tpu.memref_slice %arg2[%dma_wait3A_153, %dma_wait3A_154] : memref<10000x128xf32, #tpu.memory_space<hbm>> -> memref<10000x128xf32, #tpu.memory_space<hbm>>
      tpu.wait_indirect_dma semaphore(%arg14 : memref<!tpu.dma_semaphore, #tpu.memory_space<semaphore_mem>>) src(%dma_wait3A_155 : memref<10000x128xf32, #tpu.memory_space<hbm>>) dst(%arg10 : memref<128x128xf32, #tpu.memory_space<vmem>>)
      %add3A_156 = arith.constant 1 : i32
      %add3A_157 = arith.addi %add3A_81, %add3A_156 : i32
      %rem3A_158 = arith.constant 16 : i32
      %rem3A_159 = arith.remsi %add3A_157, %rem3A_158 : i32
      %dma_start3A_160 = arith.constant 0 : i32
      %dma_start3A_161 = tpu.memref_slice %arg8[%rem3A_159, %dma_start3A_160] : memref<16x128xi32, #tpu.memory_space<vmem>> -> memref<1x128xi32, #tpu.memory_space<vmem>>
      %dma_start3A_162 = tpu.memref_squeeze %dma_start3A_161 : memref<1x128xi32, #tpu.memory_space<vmem>> -> memref<128xi32, #tpu.memory_space<vmem>>
      %dma_start3A_163 = arith.constant 0 : i32
      %dma_start3A_164 = arith.constant 0 : i32
      %dma_start3A_165 = tpu.memref_slice %arg12[%dma_start3A_163, %dma_start3A_164] : memref<10240x128xf32, #tpu.memory_space<vmem_shared>> -> memref<10240x128xf32, #tpu.memory_space<vmem_shared>>
      tpu.enqueue_indirect_dma source(%arg10 : memref<128x128xf32, #tpu.memory_space<vmem>>) target(%dma_start3A_165 : memref<10240x128xf32, #tpu.memory_space<vmem_shared>>) offsets(%dma_start3A_162 : memref<128xi32, #tpu.memory_space<vmem>>) semaphore(%arg16 : memref<!tpu.dma_semaphore, #tpu.memory_space<semaphore_mem>>) {add = true}
      %rem3A_166 = arith.constant 16 : i32
      %rem3A_167 = arith.remsi %add3A_81, %rem3A_166 : i32
      %dma_wait3A_168 = arith.constant 0 : i32
      %dma_wait3A_169 = tpu.memref_slice %arg8[%rem3A_167, %dma_wait3A_168] : memref<16x128xi32, #tpu.memory_space<vmem>> -> memref<1x128xi32, #tpu.memory_space<vmem>>
      %dma_wait3A_170 = tpu.memref_squeeze %dma_wait3A_169 : memref<1x128xi32, #tpu.memory_space<vmem>> -> memref<128xi32, #tpu.memory_space<vmem>>
      %dma_wait3A_171 = arith.constant 0 : i32
      %dma_wait3A_172 = arith.constant 0 : i32
      %dma_wait3A_173 = tpu.memref_slice %arg12[%dma_wait3A_171, %dma_wait3A_172] : memref<10240x128xf32, #tpu.memory_space<vmem_shared>> -> memref<10240x128xf32, #tpu.memory_space<vmem_shared>>
      tpu.wait_indirect_dma semaphore(%arg15 : memref<!tpu.dma_semaphore, #tpu.memory_space<semaphore_mem>>) src(%arg9 : memref<128x128xf32, #tpu.memory_space<vmem>>) dst(%dma_wait3A_173 : memref<10240x128xf32, #tpu.memory_space<vmem_shared>>)
      %add3A_174 = arith.constant 5 : i32
      %add3A_175 = arith.addi %add3A_81, %add3A_174 : i32
      %rem3A_176 = arith.constant 8 : i32
      %rem3A_177 = arith.remsi %add3A_175, %rem3A_176 : i32
      %eq3A_178 = arith.constant 0 : i32
      %eq3A_179 = arith.cmpi eq, %rem3A_177, %eq3A_178 : i32
      %add3A_180 = arith.constant 5 : i32
      %add3A_181 = arith.addi %add3A_81, %add3A_180 : i32
      %ge3A_182 = arith.constant 16 : i32
      %ge3A_183 = arith.cmpi sge, %add3A_181, %ge3A_182 : i32
      %and3A_184 = arith.andi %eq3A_179, %ge3A_183 : i1
      %add3A_185 = arith.constant 5 : i32
      %add3A_186 = arith.addi %add3A_81, %add3A_185 : i32
      %lt3A_187 = arith.cmpi slt, %add3A_186, %select_n3A_2 : i32
      %and3A_188 = arith.andi %and3A_184, %lt3A_187 : i1
      %convert_element_type3A_189 = arith.extui %and3A_188 : i1 to i32
      %cond3A_190 = arith.constant 0 : i32
      %cond3A_191 = arith.cmpi ne, %convert_element_type3A_189, %cond3A_190 : i32
      scf.if %cond3A_191 {
        %add3A_207 = arith.constant 5 : i32
        %add3A_208 = arith.addi %add3A_81, %add3A_207 : i32
        %jit3A = arith.constant 8 : i32
        %div3A_209 = arith.divsi %add3A_208, %jit3A : i32
        %sign3A = arith.constant 0 : i32
        %sign3A_210 = arith.cmpi sgt, %add3A_208, %sign3A : i32
        %sign3A_211 = arith.extui %sign3A_210 : i1 to i32
        %sign3A_212 = arith.constant 0 : i32
        %sign3A_213 = arith.cmpi slt, %add3A_208, %sign3A_212 : i32
        %sign3A_214 = arith.extui %sign3A_213 : i1 to i32
        %sign3A_215 = arith.subi %sign3A_211, %sign3A_214 : i32
        %sign3A_216 = arith.constant 0 : i32
        %sign3A_217 = arith.cmpi sgt, %jit3A, %sign3A_216 : i32
        %sign3A_218 = arith.extui %sign3A_217 : i1 to i32
        %sign3A_219 = arith.constant 0 : i32
        %sign3A_220 = arith.cmpi slt, %jit3A, %sign3A_219 : i32
        %sign3A_221 = arith.extui %sign3A_220 : i1 to i32
        %sign3A_222 = arith.subi %sign3A_218, %sign3A_221 : i32
        %ne3A = arith.cmpi ne, %sign3A_215, %sign3A_222 : i32
        %rem3A_223 = arith.remsi %add3A_208, %jit3A : i32
        %ne3A_224 = arith.constant 0 : i32
        %ne3A_225 = arith.cmpi ne, %rem3A_223, %ne3A_224 : i32
        %and3A_226 = arith.andi %ne3A, %ne3A_225 : i1
        %sub3A_227 = arith.constant 1 : i32
        %sub3A_228 = arith.subi %div3A_209, %sub3A_227 : i32
        %select_n3A_229 = arith.select %and3A_226, %sub3A_228, %div3A_209 : i32
        %rem3A_230 = arith.constant 2 : i32
        %rem3A_231 = arith.remsi %select_n3A_229, %rem3A_230 : i32
        %mul3A_232 = arith.constant 8 : i32
        %mul3A_233 = arith.muli %rem3A_231, %mul3A_232 : i32
        %add3A_234 = arith.addi %select_n3A_7, %select_n3A_229 : i32
        %dma_start3A_235 = arith.constant 0 : i32
        %dma_start3A_236 = tpu.memref_slice %arg7[%mul3A_233, %dma_start3A_235] : memref<16x128xi32, #tpu.memory_space<vmem>> -> memref<8x128xi32, #tpu.memory_space<vmem>>
        %dma_start3A_237 = arith.constant 0 : i32
        %dma_start3A_238 = arith.constant 0 : i32
        %dma_start3A_239 = tpu.memref_slice %arg3[%arg1, %add3A_234, %dma_start3A_237, %dma_start3A_238] : memref<16x20x8x128xi32, #tpu.memory_space<hbm>> -> memref<1x1x8x128xi32, #tpu.memory_space<hbm>>
        %dma_start3A_240 = tpu.memref_squeeze %dma_start3A_239 : memref<1x1x8x128xi32, #tpu.memory_space<hbm>> -> memref<8x128xi32, #tpu.memory_space<hbm>>
        %dma_start3A_241 = arith.constant 0 : i32
        %dma_start3A_242 = tpu.memref_slice %arg7[%mul3A_233, %dma_start3A_241] : memref<16x128xi32, #tpu.memory_space<vmem>> -> memref<8x128xi32, #tpu.memory_space<vmem>>
        %dma_start3A_243 = arith.constant 0 : i32
        %dma_start3A_244 = arith.constant 0 : i32
        %dma_start3A_245 = tpu.memref_slice %arg3[%arg1, %add3A_234, %dma_start3A_243, %dma_start3A_244] : memref<16x20x8x128xi32, #tpu.memory_space<hbm>> -> memref<1x1x8x128xi32, #tpu.memory_space<hbm>>
        %dma_start3A_246 = tpu.memref_squeeze %dma_start3A_245 : memref<1x1x8x128xi32, #tpu.memory_space<hbm>> -> memref<8x128xi32, #tpu.memory_space<hbm>>
        tpu.enqueue_dma source(%dma_start3A_246 : memref<8x128xi32, #tpu.memory_space<hbm>>) target(%dma_start3A_242 : memref<8x128xi32, #tpu.memory_space<vmem>>) target_semaphore(%arg17 : memref<!tpu.dma_semaphore, #tpu.memory_space<semaphore_mem>>)
        %add3A_247 = arith.addi %select_n3A_7, %select_n3A_229 : i32
        %dma_start3A_248 = arith.constant 0 : i32
        %dma_start3A_249 = tpu.memref_slice %arg8[%mul3A_233, %dma_start3A_248] : memref<16x128xi32, #tpu.memory_space<vmem>> -> memref<8x128xi32, #tpu.memory_space<vmem>>
        %dma_start3A_250 = arith.constant 0 : i32
        %dma_start3A_251 = arith.constant 0 : i32
        %dma_start3A_252 = tpu.memref_slice %arg4[%arg1, %add3A_247, %dma_start3A_250, %dma_start3A_251] : memref<16x20x8x128xi32, #tpu.memory_space<hbm>> -> memref<1x1x8x128xi32, #tpu.memory_space<hbm>>
        %dma_start3A_253 = tpu.memref_squeeze %dma_start3A_252 : memref<1x1x8x128xi32, #tpu.memory_space<hbm>> -> memref<8x128xi32, #tpu.memory_space<hbm>>
        %dma_start3A_254 = arith.constant 0 : i32
        %dma_start3A_255 = tpu.memref_slice %arg8[%mul3A_233, %dma_start3A_254] : memref<16x128xi32, #tpu.memory_space<vmem>> -> memref<8x128xi32, #tpu.memory_space<vmem>>
        %dma_start3A_256 = arith.constant 0 : i32
        %dma_start3A_257 = arith.constant 0 : i32
        %dma_start3A_258 = tpu.memref_slice %arg4[%arg1, %add3A_247, %dma_start3A_256, %dma_start3A_257] : memref<16x20x8x128xi32, #tpu.memory_space<hbm>> -> memref<1x1x8x128xi32, #tpu.memory_space<hbm>>
        %dma_start3A_259 = tpu.memref_squeeze %dma_start3A_258 : memref<1x1x8x128xi32, #tpu.memory_space<hbm>> -> memref<8x128xi32, #tpu.memory_space<hbm>>
        tpu.enqueue_dma source(%dma_start3A_259 : memref<8x128xi32, #tpu.memory_space<hbm>>) target(%dma_start3A_255 : memref<8x128xi32, #tpu.memory_space<vmem>>) target_semaphore(%arg17 : memref<!tpu.dma_semaphore, #tpu.memory_space<semaphore_mem>>)
      } else {
      }
      %add3A_192 = arith.constant 2 : i32
      %add3A_193 = arith.addi %add3A_81, %add3A_192 : i32
      %lt3A_194 = arith.cmpi slt, %add3A_193, %select_n3A_2 : i32
      %convert_element_type3A_195 = arith.extui %lt3A_194 : i1 to i32
      %cond3A_196 = arith.constant 0 : i32
      %cond3A_197 = arith.cmpi ne, %convert_element_type3A_195, %cond3A_196 : i32
      scf.if %cond3A_197 {
        %add3A_207 = arith.constant 2 : i32
        %add3A_208 = arith.addi %add3A_81, %add3A_207 : i32
        %rem3A_209 = arith.constant 8 : i32
        %rem3A_210 = arith.remsi %add3A_208, %rem3A_209 : i32
        %eq3A_211 = arith.constant 0 : i32
        %eq3A_212 = arith.cmpi eq, %rem3A_210, %eq3A_211 : i32
        %add3A_213 = arith.constant 2 : i32
        %add3A_214 = arith.addi %add3A_81, %add3A_213 : i32
        %ge3A_215 = arith.constant 16 : i32
        %ge3A_216 = arith.cmpi sge, %add3A_214, %ge3A_215 : i32
        %and3A_217 = arith.andi %eq3A_212, %ge3A_216 : i1
        %convert_element_type3A_218 = arith.extui %and3A_217 : i1 to i32
        %cond3A_219 = arith.constant 0 : i32
        %cond3A_220 = arith.cmpi ne, %convert_element_type3A_218, %cond3A_219 : i32
        scf.if %cond3A_220 {
          %add3A_231 = arith.constant 2 : i32
          %add3A_232 = arith.addi %add3A_81, %add3A_231 : i32
          %jit3A = arith.constant 8 : i32
          %div3A_233 = arith.divsi %add3A_232, %jit3A : i32
          %sign3A = arith.constant 0 : i32
          %sign3A_234 = arith.cmpi sgt, %add3A_232, %sign3A : i32
          %sign3A_235 = arith.extui %sign3A_234 : i1 to i32
          %sign3A_236 = arith.constant 0 : i32
          %sign3A_237 = arith.cmpi slt, %add3A_232, %sign3A_236 : i32
          %sign3A_238 = arith.extui %sign3A_237 : i1 to i32
          %sign3A_239 = arith.subi %sign3A_235, %sign3A_238 : i32
          %sign3A_240 = arith.constant 0 : i32
          %sign3A_241 = arith.cmpi sgt, %jit3A, %sign3A_240 : i32
          %sign3A_242 = arith.extui %sign3A_241 : i1 to i32
          %sign3A_243 = arith.constant 0 : i32
          %sign3A_244 = arith.cmpi slt, %jit3A, %sign3A_243 : i32
          %sign3A_245 = arith.extui %sign3A_244 : i1 to i32
          %sign3A_246 = arith.subi %sign3A_242, %sign3A_245 : i32
          %ne3A = arith.cmpi ne, %sign3A_239, %sign3A_246 : i32
          %rem3A_247 = arith.remsi %add3A_232, %jit3A : i32
          %ne3A_248 = arith.constant 0 : i32
          %ne3A_249 = arith.cmpi ne, %rem3A_247, %ne3A_248 : i32
          %and3A_250 = arith.andi %ne3A, %ne3A_249 : i1
          %sub3A_251 = arith.constant 1 : i32
          %sub3A_252 = arith.subi %div3A_233, %sub3A_251 : i32
          %select_n3A_253 = arith.select %and3A_250, %sub3A_252, %div3A_233 : i32
          %rem3A_254 = arith.constant 2 : i32
          %rem3A_255 = arith.remsi %select_n3A_253, %rem3A_254 : i32
          %mul3A_256 = arith.constant 8 : i32
          %mul3A_257 = arith.muli %rem3A_255, %mul3A_256 : i32
          %add3A_258 = arith.addi %select_n3A_7, %select_n3A_253 : i32
          %dma_wait3A_259 = arith.constant 0 : i32
          %dma_wait3A_260 = tpu.memref_slice %arg7[%mul3A_257, %dma_wait3A_259] : memref<16x128xi32, #tpu.memory_space<vmem>> -> memref<8x128xi32, #tpu.memory_space<vmem>>
          %dma_wait3A_261 = arith.constant 0 : i32
          %dma_wait3A_262 = arith.constant 0 : i32
          %dma_wait3A_263 = tpu.memref_slice %arg3[%arg1, %add3A_258, %dma_wait3A_261, %dma_wait3A_262] : memref<16x20x8x128xi32, #tpu.memory_space<hbm>> -> memref<1x1x8x128xi32, #tpu.memory_space<hbm>>
          %dma_wait3A_264 = tpu.memref_squeeze %dma_wait3A_263 : memref<1x1x8x128xi32, #tpu.memory_space<hbm>> -> memref<8x128xi32, #tpu.memory_space<hbm>>
          %dma_wait3A_265 = arith.constant 0 : i32
          %dma_wait3A_266 = tpu.memref_slice %arg7[%mul3A_257, %dma_wait3A_265] : memref<16x128xi32, #tpu.memory_space<vmem>> -> memref<8x128xi32, #tpu.memory_space<vmem>>
          %dma_wait3A_267 = arith.constant 0 : i32
          %dma_wait3A_268 = arith.constant 0 : i32
          %dma_wait3A_269 = tpu.memref_slice %arg3[%arg1, %add3A_258, %dma_wait3A_267, %dma_wait3A_268] : memref<16x20x8x128xi32, #tpu.memory_space<hbm>> -> memref<1x1x8x128xi32, #tpu.memory_space<hbm>>
          %dma_wait3A_270 = tpu.memref_squeeze %dma_wait3A_269 : memref<1x1x8x128xi32, #tpu.memory_space<hbm>> -> memref<8x128xi32, #tpu.memory_space<hbm>>
          tpu.wait_dma2 semaphore(%arg17 : memref<!tpu.dma_semaphore, #tpu.memory_space<semaphore_mem>>) src(%dma_wait3A_270 : memref<8x128xi32, #tpu.memory_space<hbm>>) dst(%dma_wait3A_266 : memref<8x128xi32, #tpu.memory_space<vmem>>)
          %add3A_271 = arith.addi %select_n3A_7, %select_n3A_253 : i32
          %dma_wait3A_272 = arith.constant 0 : i32
          %dma_wait3A_273 = tpu.memref_slice %arg8[%mul3A_257, %dma_wait3A_272] : memref<16x128xi32, #tpu.memory_space<vmem>> -> memref<8x128xi32, #tpu.memory_space<vmem>>
          %dma_wait3A_274 = arith.constant 0 : i32
          %dma_wait3A_275 = arith.constant 0 : i32
          %dma_wait3A_276 = tpu.memref_slice %arg4[%arg1, %add3A_271, %dma_wait3A_274, %dma_wait3A_275] : memref<16x20x8x128xi32, #tpu.memory_space<hbm>> -> memref<1x1x8x128xi32, #tpu.memory_space<hbm>>
          %dma_wait3A_277 = tpu.memref_squeeze %dma_wait3A_276 : memref<1x1x8x128xi32, #tpu.memory_space<hbm>> -> memref<8x128xi32, #tpu.memory_space<hbm>>
          %dma_wait3A_278 = arith.constant 0 : i32
          %dma_wait3A_279 = tpu.memref_slice %arg8[%mul3A_257, %dma_wait3A_278] : memref<16x128xi32, #tpu.memory_space<vmem>> -> memref<8x128xi32, #tpu.memory_space<vmem>>
          %dma_wait3A_280 = arith.constant 0 : i32
          %dma_wait3A_281 = arith.constant 0 : i32
          %dma_wait3A_282 = tpu.memref_slice %arg4[%arg1, %add3A_271, %dma_wait3A_280, %dma_wait3A_281] : memref<16x20x8x128xi32, #tpu.memory_space<hbm>> -> memref<1x1x8x128xi32, #tpu.memory_space<hbm>>
          %dma_wait3A_283 = tpu.memref_squeeze %dma_wait3A_282 : memref<1x1x8x128xi32, #tpu.memory_space<hbm>> -> memref<8x128xi32, #tpu.memory_space<hbm>>
          tpu.wait_dma2 semaphore(%arg17 : memref<!tpu.dma_semaphore, #tpu.memory_space<semaphore_mem>>) src(%dma_wait3A_283 : memref<8x128xi32, #tpu.memory_space<hbm>>) dst(%dma_wait3A_279 : memref<8x128xi32, #tpu.memory_space<vmem>>)
        } else {
        }
        %add3A_221 = arith.constant 2 : i32
        %add3A_222 = arith.addi %add3A_81, %add3A_221 : i32
        %rem3A_223 = arith.constant 16 : i32
        %rem3A_224 = arith.remsi %add3A_222, %rem3A_223 : i32
        %dma_start3A_225 = arith.constant 0 : i32
        %dma_start3A_226 = tpu.memref_slice %arg7[%rem3A_224, %dma_start3A_225] : memref<16x128xi32, #tpu.memory_space<vmem>> -> memref<1x128xi32, #tpu.memory_space<vmem>>
        %dma_start3A_227 = tpu.memref_squeeze %dma_start3A_226 : memref<1x128xi32, #tpu.memory_space<vmem>> -> memref<128xi32, #tpu.memory_space<vmem>>
        %dma_start3A_228 = arith.constant 0 : i32
        %dma_start3A_229 = arith.constant 0 : i32
        %dma_start3A_230 = tpu.memref_slice %arg2[%dma_start3A_228, %dma_start3A_229] : memref<10000x128xf32, #tpu.memory_space<hbm>> -> memref<10000x128xf32, #tpu.memory_space<hbm>>
        tpu.enqueue_indirect_dma source(%dma_start3A_230 : memref<10000x128xf32, #tpu.memory_space<hbm>>) target(%arg9 : memref<128x128xf32, #tpu.memory_space<vmem>>) offsets(%dma_start3A_227 : memref<128xi32, #tpu.memory_space<vmem>>) semaphore(%arg13 : memref<!tpu.dma_semaphore, #tpu.memory_space<semaphore_mem>>)
      } else {
      }
      %add3A_198 = arith.constant 1 : i32
      %add3A_199 = arith.addi %add3A_81, %add3A_198 : i32
      %rem3A_200 = arith.constant 16 : i32
      %rem3A_201 = arith.remsi %add3A_199, %rem3A_200 : i32
      %scan3A_202 = arith.constant 0 : i32
      %scan3A_203 = arith.constant 8 : i32
      %scan3A_204 = arith.addi %scan3A_202, %scan3A_203 : i32
      %scan3A_205 = arith.constant 1 : i32
      scf.for %scan3A_207 = %scan3A_202 to %scan3A_204 step %scan3A_205  : i32 {
        %mul3A_208 = arith.constant 16 : i32
        %mul3A_209 = arith.muli %scan3A_207, %mul3A_208 : i32
        %add3A_210 = arith.constant 0 : i32
        %add3A_211 = arith.addi %add3A_210, %mul3A_209 : i32
        %get3A = arith.index_cast %rem3A_201 : i32 to index
        %get3A_212 = arith.index_cast %add3A_211 : i32 to index
        %get3A_213 = tpu.vector_load %arg8[%get3A, %get3A_212] {strides = array<i32>} : memref<16x128xi32, #tpu.memory_space<vmem>>, vector<16xi32>,
        tpu.vector_store_idx %arg11[%get3A_213], %broadcast_in_dim3A_8 {add = true} : memref<10240xf32, #tpu.memory_space<vmem>>[vector<16xi32>], vector<16xf32>,
      }
      %scan3A_206 = arith.constant 8 : i32
    }
    %while3A_68 = arith.constant 1 : i32
    scf.for %while3A_79 = %while3A_66 to %while3A_62 step %while3A_68  : i32 {
      %mul3A_80 = arith.muli %while3A_79, %while3A : i32
      %add3A_81 = arith.addi %while3A_59, %mul3A_80 : i32
      %rem3A_82 = arith.constant 16 : i32
      %rem3A_83 = arith.remsi %add3A_81, %rem3A_82 : i32
      %dma_wait3A_84 = arith.constant 0 : i32
      %dma_wait3A_85 = tpu.memref_slice %arg7[%rem3A_83, %dma_wait3A_84] : memref<16x128xi32, #tpu.memory_space<vmem>> -> memref<1x128xi32, #tpu.memory_space<vmem>>
      %dma_wait3A_86 = tpu.memref_squeeze %dma_wait3A_85 : memref<1x128xi32, #tpu.memory_space<vmem>> -> memref<128xi32, #tpu.memory_space<vmem>>
      %dma_wait3A_87 = arith.constant 0 : i32
      %dma_wait3A_88 = arith.constant 0 : i32
      %dma_wait3A_89 = tpu.memref_slice %arg2[%dma_wait3A_87, %dma_wait3A_88] : memref<10000x128xf32, #tpu.memory_space<hbm>> -> memref<10000x128xf32, #tpu.memory_space<hbm>>
      tpu.wait_indirect_dma semaphore(%arg13 : memref<!tpu.dma_semaphore, #tpu.memory_space<semaphore_mem>>) src(%dma_wait3A_89 : memref<10000x128xf32, #tpu.memory_space<hbm>>) dst(%arg9 : memref<128x128xf32, #tpu.memory_space<vmem>>)
      %rem3A_90 = arith.constant 16 : i32
      %rem3A_91 = arith.remsi %add3A_81, %rem3A_90 : i32
      %dma_start3A_92 = arith.constant 0 : i32
      %dma_start3A_93 = tpu.memref_slice %arg8[%rem3A_91, %dma_start3A_92] : memref<16x128xi32, #tpu.memory_space<vmem>> -> memref<1x128xi32, #tpu.memory_space<vmem>>
      %dma_start3A_94 = tpu.memref_squeeze %dma_start3A_93 : memref<1x128xi32, #tpu.memory_space<vmem>> -> memref<128xi32, #tpu.memory_space<vmem>>
      %dma_start3A_95 = arith.constant 0 : i32
      %dma_start3A_96 = arith.constant 0 : i32
      %dma_start3A_97 = tpu.memref_slice %arg12[%dma_start3A_95, %dma_start3A_96] : memref<10240x128xf32, #tpu.memory_space<vmem_shared>> -> memref<10240x128xf32, #tpu.memory_space<vmem_shared>>
      tpu.enqueue_indirect_dma source(%arg9 : memref<128x128xf32, #tpu.memory_space<vmem>>) target(%dma_start3A_97 : memref<10240x128xf32, #tpu.memory_space<vmem_shared>>) offsets(%dma_start3A_94 : memref<128xi32, #tpu.memory_space<vmem>>) semaphore(%arg15 : memref<!tpu.dma_semaphore, #tpu.memory_space<semaphore_mem>>) {add = true}
      %gt3A = arith.constant 0 : i32
      %gt3A_98 = arith.cmpi sgt, %add3A_81, %gt3A : i32
      %convert_element_type3A = arith.extui %gt3A_98 : i1 to i32
      %cond3A = arith.constant 0 : i32
      %cond3A_99 = arith.cmpi ne, %convert_element_type3A, %cond3A : i32
      scf.if %cond3A_99 {
        %sub3A_207 = arith.constant 1 : i32
        %sub3A_208 = arith.subi %add3A_81, %sub3A_207 : i32
        %rem3A_209 = arith.constant 16 : i32
        %rem3A_210 = arith.remsi %sub3A_208, %rem3A_209 : i32
        %dma_wait3A_211 = arith.constant 0 : i32
        %dma_wait3A_212 = tpu.memref_slice %arg8[%rem3A_210, %dma_wait3A_211] : memref<16x128xi32, #tpu.memory_space<vmem>> -> memref<1x128xi32, #tpu.memory_space<vmem>>
        %dma_wait3A_213 = tpu.memref_squeeze %dma_wait3A_212 : memref<1x128xi32, #tpu.memory_space<vmem>> -> memref<128xi32, #tpu.memory_space<vmem>>
        %dma_wait3A_214 = arith.constant 0 : i32
        %dma_wait3A_215 = arith.constant 0 : i32
        %dma_wait3A_216 = tpu.memref_slice %arg12[%dma_wait3A_214, %dma_wait3A_215] : memref<10240x128xf32, #tpu.memory_space<vmem_shared>> -> memref<10240x128xf32, #tpu.memory_space<vmem_shared>>
        tpu.wait_indirect_dma semaphore(%arg16 : memref<!tpu.dma_semaphore, #tpu.memory_space<semaphore_mem>>) src(%arg10 : memref<128x128xf32, #tpu.memory_space<vmem>>) dst(%dma_wait3A_216 : memref<10240x128xf32, #tpu.memory_space<vmem_shared>>)
      } else {
      }
      %add3A_100 = arith.constant 4 : i32
      %add3A_101 = arith.addi %add3A_81, %add3A_100 : i32
      %rem3A_102 = arith.constant 8 : i32
      %rem3A_103 = arith.remsi %add3A_101, %rem3A_102 : i32
      %eq3A_104 = arith.constant 0 : i32
      %eq3A_105 = arith.cmpi eq, %rem3A_103, %eq3A_104 : i32
      %add3A_106 = arith.constant 4 : i32
      %add3A_107 = arith.addi %add3A_81, %add3A_106 : i32
      %ge3A = arith.constant 16 : i32
      %ge3A_108 = arith.cmpi sge, %add3A_107, %ge3A : i32
      %and3A = arith.andi %eq3A_105, %ge3A_108 : i1
      %add3A_109 = arith.constant 4 : i32
      %add3A_110 = arith.addi %add3A_81, %add3A_109 : i32
      %lt3A = arith.cmpi slt, %add3A_110, %select_n3A_2 : i32
      %and3A_111 = arith.andi %and3A, %lt3A : i1
      %convert_element_type3A_112 = arith.extui %and3A_111 : i1 to i32
      %cond3A_113 = arith.constant 0 : i32
      %cond3A_114 = arith.cmpi ne, %convert_element_type3A_112, %cond3A_113 : i32
      scf.if %cond3A_114 {
        %add3A_207 = arith.constant 4 : i32
        %add3A_208 = arith.addi %add3A_81, %add3A_207 : i32
        %jit3A = arith.constant 8 : i32
        %div3A_209 = arith.divsi %add3A_208, %jit3A : i32
        %sign3A = arith.constant 0 : i32
        %sign3A_210 = arith.cmpi sgt, %add3A_208, %sign3A : i32
        %sign3A_211 = arith.extui %sign3A_210 : i1 to i32
        %sign3A_212 = arith.constant 0 : i32
        %sign3A_213 = arith.cmpi slt, %add3A_208, %sign3A_212 : i32
        %sign3A_214 = arith.extui %sign3A_213 : i1 to i32
        %sign3A_215 = arith.subi %sign3A_211, %sign3A_214 : i32
        %sign3A_216 = arith.constant 0 : i32
        %sign3A_217 = arith.cmpi sgt, %jit3A, %sign3A_216 : i32
        %sign3A_218 = arith.extui %sign3A_217 : i1 to i32
        %sign3A_219 = arith.constant 0 : i32
        %sign3A_220 = arith.cmpi slt, %jit3A, %sign3A_219 : i32
        %sign3A_221 = arith.extui %sign3A_220 : i1 to i32
        %sign3A_222 = arith.subi %sign3A_218, %sign3A_221 : i32
        %ne3A = arith.cmpi ne, %sign3A_215, %sign3A_222 : i32
        %rem3A_223 = arith.remsi %add3A_208, %jit3A : i32
        %ne3A_224 = arith.constant 0 : i32
        %ne3A_225 = arith.cmpi ne, %rem3A_223, %ne3A_224 : i32
        %and3A_226 = arith.andi %ne3A, %ne3A_225 : i1
        %sub3A_227 = arith.constant 1 : i32
        %sub3A_228 = arith.subi %div3A_209, %sub3A_227 : i32
        %select_n3A_229 = arith.select %and3A_226, %sub3A_228, %div3A_209 : i32
        %rem3A_230 = arith.constant 2 : i32
        %rem3A_231 = arith.remsi %select_n3A_229, %rem3A_230 : i32
        %mul3A_232 = arith.constant 8 : i32
        %mul3A_233 = arith.muli %rem3A_231, %mul3A_232 : i32
        %add3A_234 = arith.addi %select_n3A_7, %select_n3A_229 : i32
        %dma_start3A_235 = arith.constant 0 : i32
        %dma_start3A_236 = tpu.memref_slice %arg7[%mul3A_233, %dma_start3A_235] : memref<16x128xi32, #tpu.memory_space<vmem>> -> memref<8x128xi32, #tpu.memory_space<vmem>>
        %dma_start3A_237 = arith.constant 0 : i32
        %dma_start3A_238 = arith.constant 0 : i32
        %dma_start3A_239 = tpu.memref_slice %arg3[%arg1, %add3A_234, %dma_start3A_237, %dma_start3A_238] : memref<16x20x8x128xi32, #tpu.memory_space<hbm>> -> memref<1x1x8x128xi32, #tpu.memory_space<hbm>>
        %dma_start3A_240 = tpu.memref_squeeze %dma_start3A_239 : memref<1x1x8x128xi32, #tpu.memory_space<hbm>> -> memref<8x128xi32, #tpu.memory_space<hbm>>
        %dma_start3A_241 = arith.constant 0 : i32
        %dma_start3A_242 = tpu.memref_slice %arg7[%mul3A_233, %dma_start3A_241] : memref<16x128xi32, #tpu.memory_space<vmem>> -> memref<8x128xi32, #tpu.memory_space<vmem>>
        %dma_start3A_243 = arith.constant 0 : i32
        %dma_start3A_244 = arith.constant 0 : i32
        %dma_start3A_245 = tpu.memref_slice %arg3[%arg1, %add3A_234, %dma_start3A_243, %dma_start3A_244] : memref<16x20x8x128xi32, #tpu.memory_space<hbm>> -> memref<1x1x8x128xi32, #tpu.memory_space<hbm>>
        %dma_start3A_246 = tpu.memref_squeeze %dma_start3A_245 : memref<1x1x8x128xi32, #tpu.memory_space<hbm>> -> memref<8x128xi32, #tpu.memory_space<hbm>>
        tpu.enqueue_dma source(%dma_start3A_246 : memref<8x128xi32, #tpu.memory_space<hbm>>) target(%dma_start3A_242 : memref<8x128xi32, #tpu.memory_space<vmem>>) target_semaphore(%arg17 : memref<!tpu.dma_semaphore, #tpu.memory_space<semaphore_mem>>)
        %add3A_247 = arith.addi %select_n3A_7, %select_n3A_229 : i32
        %dma_start3A_248 = arith.constant 0 : i32
        %dma_start3A_249 = tpu.memref_slice %arg8[%mul3A_233, %dma_start3A_248] : memref<16x128xi32, #tpu.memory_space<vmem>> -> memref<8x128xi32, #tpu.memory_space<vmem>>
        %dma_start3A_250 = arith.constant 0 : i32
        %dma_start3A_251 = arith.constant 0 : i32
        %dma_start3A_252 = tpu.memref_slice %arg4[%arg1, %add3A_247, %dma_start3A_250, %dma_start3A_251] : memref<16x20x8x128xi32, #tpu.memory_space<hbm>> -> memref<1x1x8x128xi32, #tpu.memory_space<hbm>>
        %dma_start3A_253 = tpu.memref_squeeze %dma_start3A_252 : memref<1x1x8x128xi32, #tpu.memory_space<hbm>> -> memref<8x128xi32, #tpu.memory_space<hbm>>
        %dma_start3A_254 = arith.constant 0 : i32
        %dma_start3A_255 = tpu.memref_slice %arg8[%mul3A_233, %dma_start3A_254] : memref<16x128xi32, #tpu.memory_space<vmem>> -> memref<8x128xi32, #tpu.memory_space<vmem>>
        %dma_start3A_256 = arith.constant 0 : i32
        %dma_start3A_257 = arith.constant 0 : i32
        %dma_start3A_258 = tpu.memref_slice %arg4[%arg1, %add3A_247, %dma_start3A_256, %dma_start3A_257] : memref<16x20x8x128xi32, #tpu.memory_space<hbm>> -> memref<1x1x8x128xi32, #tpu.memory_space<hbm>>
        %dma_start3A_259 = tpu.memref_squeeze %dma_start3A_258 : memref<1x1x8x128xi32, #tpu.memory_space<hbm>> -> memref<8x128xi32, #tpu.memory_space<hbm>>
        tpu.enqueue_dma source(%dma_start3A_259 : memref<8x128xi32, #tpu.memory_space<hbm>>) target(%dma_start3A_255 : memref<8x128xi32, #tpu.memory_space<vmem>>) target_semaphore(%arg17 : memref<!tpu.dma_semaphore, #tpu.memory_space<semaphore_mem>>)
      } else {
      }
      %add3A_115 = arith.constant 1 : i32
      %add3A_116 = arith.addi %add3A_81, %add3A_115 : i32
      %rem3A_117 = arith.constant 8 : i32
      %rem3A_118 = arith.remsi %add3A_116, %rem3A_117 : i32
      %eq3A_119 = arith.constant 0 : i32
      %eq3A_120 = arith.cmpi eq, %rem3A_118, %eq3A_119 : i32
      %add3A_121 = arith.constant 1 : i32
      %add3A_122 = arith.addi %add3A_81, %add3A_121 : i32
      %ge3A_123 = arith.constant 16 : i32
      %ge3A_124 = arith.cmpi sge, %add3A_122, %ge3A_123 : i32
      %and3A_125 = arith.andi %eq3A_120, %ge3A_124 : i1
      %convert_element_type3A_126 = arith.extui %and3A_125 : i1 to i32
      %cond3A_127 = arith.constant 0 : i32
      %cond3A_128 = arith.cmpi ne, %convert_element_type3A_126, %cond3A_127 : i32
      scf.if %cond3A_128 {
        %add3A_207 = arith.constant 1 : i32
        %add3A_208 = arith.addi %add3A_81, %add3A_207 : i32
        %jit3A = arith.constant 8 : i32
        %div3A_209 = arith.divsi %add3A_208, %jit3A : i32
        %sign3A = arith.constant 0 : i32
        %sign3A_210 = arith.cmpi sgt, %add3A_208, %sign3A : i32
        %sign3A_211 = arith.extui %sign3A_210 : i1 to i32
        %sign3A_212 = arith.constant 0 : i32
        %sign3A_213 = arith.cmpi slt, %add3A_208, %sign3A_212 : i32
        %sign3A_214 = arith.extui %sign3A_213 : i1 to i32
        %sign3A_215 = arith.subi %sign3A_211, %sign3A_214 : i32
        %sign3A_216 = arith.constant 0 : i32
        %sign3A_217 = arith.cmpi sgt, %jit3A, %sign3A_216 : i32
        %sign3A_218 = arith.extui %sign3A_217 : i1 to i32
        %sign3A_219 = arith.constant 0 : i32
        %sign3A_220 = arith.cmpi slt, %jit3A, %sign3A_219 : i32
        %sign3A_221 = arith.extui %sign3A_220 : i1 to i32
        %sign3A_222 = arith.subi %sign3A_218, %sign3A_221 : i32
        %ne3A = arith.cmpi ne, %sign3A_215, %sign3A_222 : i32
        %rem3A_223 = arith.remsi %add3A_208, %jit3A : i32
        %ne3A_224 = arith.constant 0 : i32
        %ne3A_225 = arith.cmpi ne, %rem3A_223, %ne3A_224 : i32
        %and3A_226 = arith.andi %ne3A, %ne3A_225 : i1
        %sub3A_227 = arith.constant 1 : i32
        %sub3A_228 = arith.subi %div3A_209, %sub3A_227 : i32
        %select_n3A_229 = arith.select %and3A_226, %sub3A_228, %div3A_209 : i32
        %rem3A_230 = arith.constant 2 : i32
        %rem3A_231 = arith.remsi %select_n3A_229, %rem3A_230 : i32
        %mul3A_232 = arith.constant 8 : i32
        %mul3A_233 = arith.muli %rem3A_231, %mul3A_232 : i32
        %add3A_234 = arith.addi %select_n3A_7, %select_n3A_229 : i32
        %dma_wait3A_235 = arith.constant 0 : i32
        %dma_wait3A_236 = tpu.memref_slice %arg7[%mul3A_233, %dma_wait3A_235] : memref<16x128xi32, #tpu.memory_space<vmem>> -> memref<8x128xi32, #tpu.memory_space<vmem>>
        %dma_wait3A_237 = arith.constant 0 : i32
        %dma_wait3A_238 = arith.constant 0 : i32
        %dma_wait3A_239 = tpu.memref_slice %arg3[%arg1, %add3A_234, %dma_wait3A_237, %dma_wait3A_238] : memref<16x20x8x128xi32, #tpu.memory_space<hbm>> -> memref<1x1x8x128xi32, #tpu.memory_space<hbm>>
        %dma_wait3A_240 = tpu.memref_squeeze %dma_wait3A_239 : memref<1x1x8x128xi32, #tpu.memory_space<hbm>> -> memref<8x128xi32, #tpu.memory_space<hbm>>
        %dma_wait3A_241 = arith.constant 0 : i32
        %dma_wait3A_242 = tpu.memref_slice %arg7[%mul3A_233, %dma_wait3A_241] : memref<16x128xi32, #tpu.memory_space<vmem>> -> memref<8x128xi32, #tpu.memory_space<vmem>>
        %dma_wait3A_243 = arith.constant 0 : i32
        %dma_wait3A_244 = arith.constant 0 : i32
        %dma_wait3A_245 = tpu.memref_slice %arg3[%arg1, %add3A_234, %dma_wait3A_243, %dma_wait3A_244] : memref<16x20x8x128xi32, #tpu.memory_space<hbm>> -> memref<1x1x8x128xi32, #tpu.memory_space<hbm>>
        %dma_wait3A_246 = tpu.memref_squeeze %dma_wait3A_245 : memref<1x1x8x128xi32, #tpu.memory_space<hbm>> -> memref<8x128xi32, #tpu.memory_space<hbm>>
        tpu.wait_dma2 semaphore(%arg17 : memref<!tpu.dma_semaphore, #tpu.memory_space<semaphore_mem>>) src(%dma_wait3A_246 : memref<8x128xi32, #tpu.memory_space<hbm>>) dst(%dma_wait3A_242 : memref<8x128xi32, #tpu.memory_space<vmem>>)
        %add3A_247 = arith.addi %select_n3A_7, %select_n3A_229 : i32
        %dma_wait3A_248 = arith.constant 0 : i32
        %dma_wait3A_249 = tpu.memref_slice %arg8[%mul3A_233, %dma_wait3A_248] : memref<16x128xi32, #tpu.memory_space<vmem>> -> memref<8x128xi32, #tpu.memory_space<vmem>>
        %dma_wait3A_250 = arith.constant 0 : i32
        %dma_wait3A_251 = arith.constant 0 : i32
        %dma_wait3A_252 = tpu.memref_slice %arg4[%arg1, %add3A_247, %dma_wait3A_250, %dma_wait3A_251] : memref<16x20x8x128xi32, #tpu.memory_space<hbm>> -> memref<1x1x8x128xi32, #tpu.memory_space<hbm>>
        %dma_wait3A_253 = tpu.memref_squeeze %dma_wait3A_252 : memref<1x1x8x128xi32, #tpu.memory_space<hbm>> -> memref<8x128xi32, #tpu.memory_space<hbm>>
        %dma_wait3A_254 = arith.constant 0 : i32
        %dma_wait3A_255 = tpu.memref_slice %arg8[%mul3A_233, %dma_wait3A_254] : memref<16x128xi32, #tpu.memory_space<vmem>> -> memref<8x128xi32, #tpu.memory_space<vmem>>
        %dma_wait3A_256 = arith.constant 0 : i32
        %dma_wait3A_257 = arith.constant 0 : i32
        %dma_wait3A_258 = tpu.memref_slice %arg4[%arg1, %add3A_247, %dma_wait3A_256, %dma_wait3A_257] : memref<16x20x8x128xi32, #tpu.memory_space<hbm>> -> memref<1x1x8x128xi32, #tpu.memory_space<hbm>>
        %dma_wait3A_259 = tpu.memref_squeeze %dma_wait3A_258 : memref<1x1x8x128xi32, #tpu.memory_space<hbm>> -> memref<8x128xi32, #tpu.memory_space<hbm>>
        tpu.wait_dma2 semaphore(%arg17 : memref<!tpu.dma_semaphore, #tpu.memory_space<semaphore_mem>>) src(%dma_wait3A_259 : memref<8x128xi32, #tpu.memory_space<hbm>>) dst(%dma_wait3A_255 : memref<8x128xi32, #tpu.memory_space<vmem>>)
      } else {
      }
      %add3A_129 = arith.constant 1 : i32
      %add3A_130 = arith.addi %add3A_81, %add3A_129 : i32
      %rem3A_131 = arith.constant 16 : i32
      %rem3A_132 = arith.remsi %add3A_130, %rem3A_131 : i32
      %dma_start3A_133 = arith.constant 0 : i32
      %dma_start3A_134 = tpu.memref_slice %arg7[%rem3A_132, %dma_start3A_133] : memref<16x128xi32, #tpu.memory_space<vmem>> -> memref<1x128xi32, #tpu.memory_space<vmem>>
      %dma_start3A_135 = tpu.memref_squeeze %dma_start3A_134 : memref<1x128xi32, #tpu.memory_space<vmem>> -> memref<128xi32, #tpu.memory_space<vmem>>
      %dma_start3A_136 = arith.constant 0 : i32
      %dma_start3A_137 = arith.constant 0 : i32
      %dma_start3A_138 = tpu.memref_slice %arg2[%dma_start3A_136, %dma_start3A_137] : memref<10000x128xf32, #tpu.memory_space<hbm>> -> memref<10000x128xf32, #tpu.memory_space<hbm>>
      tpu.enqueue_indirect_dma source(%dma_start3A_138 : memref<10000x128xf32, #tpu.memory_space<hbm>>) target(%arg10 : memref<128x128xf32, #tpu.memory_space<vmem>>) offsets(%dma_start3A_135 : memref<128xi32, #tpu.memory_space<vmem>>) semaphore(%arg14 : memref<!tpu.dma_semaphore, #tpu.memory_space<semaphore_mem>>)
      %rem3A_139 = arith.constant 16 : i32
      %rem3A_140 = arith.remsi %add3A_81, %rem3A_139 : i32
      %scan3A_141 = arith.constant 0 : i32
      %scan3A_142 = arith.constant 8 : i32
      %scan3A_143 = arith.addi %scan3A_141, %scan3A_142 : i32
      %scan3A_144 = arith.constant 1 : i32
      scf.for %scan3A_207 = %scan3A_141 to %scan3A_143 step %scan3A_144  : i32 {
        %mul3A_208 = arith.constant 16 : i32
        %mul3A_209 = arith.muli %scan3A_207, %mul3A_208 : i32
        %add3A_210 = arith.constant 0 : i32
        %add3A_211 = arith.addi %add3A_210, %mul3A_209 : i32
        %get3A = arith.index_cast %rem3A_140 : i32 to index
        %get3A_212 = arith.index_cast %add3A_211 : i32 to index
        %get3A_213 = tpu.vector_load %arg8[%get3A, %get3A_212] {strides = array<i32>} : memref<16x128xi32, #tpu.memory_space<vmem>>, vector<16xi32>,
        tpu.vector_store_idx %arg11[%get3A_213], %broadcast_in_dim3A_8 {add = true} : memref<10240xf32, #tpu.memory_space<vmem>>[vector<16xi32>], vector<16xf32>,
      }
      %scan3A_145 = arith.constant 8 : i32
      %add3A_146 = arith.constant 1 : i32
      %add3A_147 = arith.addi %add3A_81, %add3A_146 : i32
      %rem3A_148 = arith.constant 16 : i32
      %rem3A_149 = arith.remsi %add3A_147, %rem3A_148 : i32
      %dma_wait3A_150 = arith.constant 0 : i32
      %dma_wait3A_151 = tpu.memref_slice %arg7[%rem3A_149, %dma_wait3A_150] : memref<16x128xi32, #tpu.memory_space<vmem>> -> memref<1x128xi32, #tpu.memory_space<vmem>>
      %dma_wait3A_152 = tpu.memref_squeeze %dma_wait3A_151 : memref<1x128xi32, #tpu.memory_space<vmem>> -> memref<128xi32, #tpu.memory_space<vmem>>
      %dma_wait3A_153 = arith.constant 0 : i32
      %dma_wait3A_154 = arith.constant 0 : i32
      %dma_wait3A_155 = tpu.memref_slice %arg2[%dma_wait3A_153, %dma_wait3A_154] : memref<10000x128xf32, #tpu.memory_space<hbm>> -> memref<10000x128xf32, #tpu.memory_space<hbm>>
      tpu.wait_indirect_dma semaphore(%arg14 : memref<!tpu.dma_semaphore, #tpu.memory_space<semaphore_mem>>) src(%dma_wait3A_155 : memref<10000x128xf32, #tpu.memory_space<hbm>>) dst(%arg10 : memref<128x128xf32, #tpu.memory_space<vmem>>)
      %add3A_156 = arith.constant 1 : i32
      %add3A_157 = arith.addi %add3A_81, %add3A_156 : i32
      %rem3A_158 = arith.constant 16 : i32
      %rem3A_159 = arith.remsi %add3A_157, %rem3A_158 : i32
      %dma_start3A_160 = arith.constant 0 : i32
      %dma_start3A_161 = tpu.memref_slice %arg8[%rem3A_159, %dma_start3A_160] : memref<16x128xi32, #tpu.memory_space<vmem>> -> memref<1x128xi32, #tpu.memory_space<vmem>>
      %dma_start3A_162 = tpu.memref_squeeze %dma_start3A_161 : memref<1x128xi32, #tpu.memory_space<vmem>> -> memref<128xi32, #tpu.memory_space<vmem>>
      %dma_start3A_163 = arith.constant 0 : i32
      %dma_start3A_164 = arith.constant 0 : i32
      %dma_start3A_165 = tpu.memref_slice %arg12[%dma_start3A_163, %dma_start3A_164] : memref<10240x128xf32, #tpu.memory_space<vmem_shared>> -> memref<10240x128xf32, #tpu.memory_space<vmem_shared>>
      tpu.enqueue_indirect_dma source(%arg10 : memref<128x128xf32, #tpu.memory_space<vmem>>) target(%dma_start3A_165 : memref<10240x128xf32, #tpu.memory_space<vmem_shared>>) offsets(%dma_start3A_162 : memref<128xi32, #tpu.memory_space<vmem>>) semaphore(%arg16 : memref<!tpu.dma_semaphore, #tpu.memory_space<semaphore_mem>>) {add = true}
      %rem3A_166 = arith.constant 16 : i32
      %rem3A_167 = arith.remsi %add3A_81, %rem3A_166 : i32
      %dma_wait3A_168 = arith.constant 0 : i32
      %dma_wait3A_169 = tpu.memref_slice %arg8[%rem3A_167, %dma_wait3A_168] : memref<16x128xi32, #tpu.memory_space<vmem>> -> memref<1x128xi32, #tpu.memory_space<vmem>>
      %dma_wait3A_170 = tpu.memref_squeeze %dma_wait3A_169 : memref<1x128xi32, #tpu.memory_space<vmem>> -> memref<128xi32, #tpu.memory_space<vmem>>
      %dma_wait3A_171 = arith.constant 0 : i32
      %dma_wait3A_172 = arith.constant 0 : i32
      %dma_wait3A_173 = tpu.memref_slice %arg12[%dma_wait3A_171, %dma_wait3A_172] : memref<10240x128xf32, #tpu.memory_space<vmem_shared>> -> memref<10240x128xf32, #tpu.memory_space<vmem_shared>>
      tpu.wait_indirect_dma semaphore(%arg15 : memref<!tpu.dma_semaphore, #tpu.memory_space<semaphore_mem>>) src(%arg9 : memref<128x128xf32, #tpu.memory_space<vmem>>) dst(%dma_wait3A_173 : memref<10240x128xf32, #tpu.memory_space<vmem_shared>>)
      %add3A_174 = arith.constant 5 : i32
      %add3A_175 = arith.addi %add3A_81, %add3A_174 : i32
      %rem3A_176 = arith.constant 8 : i32
      %rem3A_177 = arith.remsi %add3A_175, %rem3A_176 : i32
      %eq3A_178 = arith.constant 0 : i32
      %eq3A_179 = arith.cmpi eq, %rem3A_177, %eq3A_178 : i32
      %add3A_180 = arith.constant 5 : i32
      %add3A_181 = arith.addi %add3A_81, %add3A_180 : i32
      %ge3A_182 = arith.constant 16 : i32
      %ge3A_183 = arith.cmpi sge, %add3A_181, %ge3A_182 : i32
      %and3A_184 = arith.andi %eq3A_179, %ge3A_183 : i1
      %add3A_185 = arith.constant 5 : i32
      %add3A_186 = arith.addi %add3A_81, %add3A_185 : i32
      %lt3A_187 = arith.cmpi slt, %add3A_186, %select_n3A_2 : i32
      %and3A_188 = arith.andi %and3A_184, %lt3A_187 : i1
      %convert_element_type3A_189 = arith.extui %and3A_188 : i1 to i32
      %cond3A_190 = arith.constant 0 : i32
      %cond3A_191 = arith.cmpi ne, %convert_element_type3A_189, %cond3A_190 : i32
      scf.if %cond3A_191 {
        %add3A_207 = arith.constant 5 : i32
        %add3A_208 = arith.addi %add3A_81, %add3A_207 : i32
        %jit3A = arith.constant 8 : i32
        %div3A_209 = arith.divsi %add3A_208, %jit3A : i32
        %sign3A = arith.constant 0 : i32
        %sign3A_210 = arith.cmpi sgt, %add3A_208, %sign3A : i32
        %sign3A_211 = arith.extui %sign3A_210 : i1 to i32
        %sign3A_212 = arith.constant 0 : i32
        %sign3A_213 = arith.cmpi slt, %add3A_208, %sign3A_212 : i32
        %sign3A_214 = arith.extui %sign3A_213 : i1 to i32
        %sign3A_215 = arith.subi %sign3A_211, %sign3A_214 : i32
        %sign3A_216 = arith.constant 0 : i32
        %sign3A_217 = arith.cmpi sgt, %jit3A, %sign3A_216 : i32
        %sign3A_218 = arith.extui %sign3A_217 : i1 to i32
        %sign3A_219 = arith.constant 0 : i32
        %sign3A_220 = arith.cmpi slt, %jit3A, %sign3A_219 : i32
        %sign3A_221 = arith.extui %sign3A_220 : i1 to i32
        %sign3A_222 = arith.subi %sign3A_218, %sign3A_221 : i32
        %ne3A = arith.cmpi ne, %sign3A_215, %sign3A_222 : i32
        %rem3A_223 = arith.remsi %add3A_208, %jit3A : i32
        %ne3A_224 = arith.constant 0 : i32
        %ne3A_225 = arith.cmpi ne, %rem3A_223, %ne3A_224 : i32
        %and3A_226 = arith.andi %ne3A, %ne3A_225 : i1
        %sub3A_227 = arith.constant 1 : i32
        %sub3A_228 = arith.subi %div3A_209, %sub3A_227 : i32
        %select_n3A_229 = arith.select %and3A_226, %sub3A_228, %div3A_209 : i32
        %rem3A_230 = arith.constant 2 : i32
        %rem3A_231 = arith.remsi %select_n3A_229, %rem3A_230 : i32
        %mul3A_232 = arith.constant 8 : i32
        %mul3A_233 = arith.muli %rem3A_231, %mul3A_232 : i32
        %add3A_234 = arith.addi %select_n3A_7, %select_n3A_229 : i32
        %dma_start3A_235 = arith.constant 0 : i32
        %dma_start3A_236 = tpu.memref_slice %arg7[%mul3A_233, %dma_start3A_235] : memref<16x128xi32, #tpu.memory_space<vmem>> -> memref<8x128xi32, #tpu.memory_space<vmem>>
        %dma_start3A_237 = arith.constant 0 : i32
        %dma_start3A_238 = arith.constant 0 : i32
        %dma_start3A_239 = tpu.memref_slice %arg3[%arg1, %add3A_234, %dma_start3A_237, %dma_start3A_238] : memref<16x20x8x128xi32, #tpu.memory_space<hbm>> -> memref<1x1x8x128xi32, #tpu.memory_space<hbm>>
        %dma_start3A_240 = tpu.memref_squeeze %dma_start3A_239 : memref<1x1x8x128xi32, #tpu.memory_space<hbm>> -> memref<8x128xi32, #tpu.memory_space<hbm>>
        %dma_start3A_241 = arith.constant 0 : i32
        %dma_start3A_242 = tpu.memref_slice %arg7[%mul3A_233, %dma_start3A_241] : memref<16x128xi32, #tpu.memory_space<vmem>> -> memref<8x128xi32, #tpu.memory_space<vmem>>
        %dma_start3A_243 = arith.constant 0 : i32
        %dma_start3A_244 = arith.constant 0 : i32
        %dma_start3A_245 = tpu.memref_slice %arg3[%arg1, %add3A_234, %dma_start3A_243, %dma_start3A_244] : memref<16x20x8x128xi32, #tpu.memory_space<hbm>> -> memref<1x1x8x128xi32, #tpu.memory_space<hbm>>
        %dma_start3A_246 = tpu.memref_squeeze %dma_start3A_245 : memref<1x1x8x128xi32, #tpu.memory_space<hbm>> -> memref<8x128xi32, #tpu.memory_space<hbm>>
        tpu.enqueue_dma source(%dma_start3A_246 : memref<8x128xi32, #tpu.memory_space<hbm>>) target(%dma_start3A_242 : memref<8x128xi32, #tpu.memory_space<vmem>>) target_semaphore(%arg17 : memref<!tpu.dma_semaphore, #tpu.memory_space<semaphore_mem>>)
        %add3A_247 = arith.addi %select_n3A_7, %select_n3A_229 : i32
        %dma_start3A_248 = arith.constant 0 : i32
        %dma_start3A_249 = tpu.memref_slice %arg8[%mul3A_233, %dma_start3A_248] : memref<16x128xi32, #tpu.memory_space<vmem>> -> memref<8x128xi32, #tpu.memory_space<vmem>>
        %dma_start3A_250 = arith.constant 0 : i32
        %dma_start3A_251 = arith.constant 0 : i32
        %dma_start3A_252 = tpu.memref_slice %arg4[%arg1, %add3A_247, %dma_start3A_250, %dma_start3A_251] : memref<16x20x8x128xi32, #tpu.memory_space<hbm>> -> memref<1x1x8x128xi32, #tpu.memory_space<hbm>>
        %dma_start3A_253 = tpu.memref_squeeze %dma_start3A_252 : memref<1x1x8x128xi32, #tpu.memory_space<hbm>> -> memref<8x128xi32, #tpu.memory_space<hbm>>
        %dma_start3A_254 = arith.constant 0 : i32
        %dma_start3A_255 = tpu.memref_slice %arg8[%mul3A_233, %dma_start3A_254] : memref<16x128xi32, #tpu.memory_space<vmem>> -> memref<8x128xi32, #tpu.memory_space<vmem>>
        %dma_start3A_256 = arith.constant 0 : i32
        %dma_start3A_257 = arith.constant 0 : i32
        %dma_start3A_258 = tpu.memref_slice %arg4[%arg1, %add3A_247, %dma_start3A_256, %dma_start3A_257] : memref<16x20x8x128xi32, #tpu.memory_space<hbm>> -> memref<1x1x8x128xi32, #tpu.memory_space<hbm>>
        %dma_start3A_259 = tpu.memref_squeeze %dma_start3A_258 : memref<1x1x8x128xi32, #tpu.memory_space<hbm>> -> memref<8x128xi32, #tpu.memory_space<hbm>>
        tpu.enqueue_dma source(%dma_start3A_259 : memref<8x128xi32, #tpu.memory_space<hbm>>) target(%dma_start3A_255 : memref<8x128xi32, #tpu.memory_space<vmem>>) target_semaphore(%arg17 : memref<!tpu.dma_semaphore, #tpu.memory_space<semaphore_mem>>)
      } else {
      }
      %add3A_192 = arith.constant 2 : i32
      %add3A_193 = arith.addi %add3A_81, %add3A_192 : i32
      %lt3A_194 = arith.cmpi slt, %add3A_193, %select_n3A_2 : i32
      %convert_element_type3A_195 = arith.extui %lt3A_194 : i1 to i32
      %cond3A_196 = arith.constant 0 : i32
      %cond3A_197 = arith.cmpi ne, %convert_element_type3A_195, %cond3A_196 : i32
      scf.if %cond3A_197 {
        %add3A_207 = arith.constant 2 : i32
        %add3A_208 = arith.addi %add3A_81, %add3A_207 : i32
        %rem3A_209 = arith.constant 8 : i32
        %rem3A_210 = arith.remsi %add3A_208, %rem3A_209 : i32
        %eq3A_211 = arith.constant 0 : i32
        %eq3A_212 = arith.cmpi eq, %rem3A_210, %eq3A_211 : i32
        %add3A_213 = arith.constant 2 : i32
        %add3A_214 = arith.addi %add3A_81, %add3A_213 : i32
        %ge3A_215 = arith.constant 16 : i32
        %ge3A_216 = arith.cmpi sge, %add3A_214, %ge3A_215 : i32
        %and3A_217 = arith.andi %eq3A_212, %ge3A_216 : i1
        %convert_element_type3A_218 = arith.extui %and3A_217 : i1 to i32
        %cond3A_219 = arith.constant 0 : i32
        %cond3A_220 = arith.cmpi ne, %convert_element_type3A_218, %cond3A_219 : i32
        scf.if %cond3A_220 {
          %add3A_231 = arith.constant 2 : i32
          %add3A_232 = arith.addi %add3A_81, %add3A_231 : i32
          %jit3A = arith.constant 8 : i32
          %div3A_233 = arith.divsi %add3A_232, %jit3A : i32
          %sign3A = arith.constant 0 : i32
          %sign3A_234 = arith.cmpi sgt, %add3A_232, %sign3A : i32
          %sign3A_235 = arith.extui %sign3A_234 : i1 to i32
          %sign3A_236 = arith.constant 0 : i32
          %sign3A_237 = arith.cmpi slt, %add3A_232, %sign3A_236 : i32
          %sign3A_238 = arith.extui %sign3A_237 : i1 to i32
          %sign3A_239 = arith.subi %sign3A_235, %sign3A_238 : i32
          %sign3A_240 = arith.constant 0 : i32
          %sign3A_241 = arith.cmpi sgt, %jit3A, %sign3A_240 : i32
          %sign3A_242 = arith.extui %sign3A_241 : i1 to i32
          %sign3A_243 = arith.constant 0 : i32
          %sign3A_244 = arith.cmpi slt, %jit3A, %sign3A_243 : i32
          %sign3A_245 = arith.extui %sign3A_244 : i1 to i32
          %sign3A_246 = arith.subi %sign3A_242, %sign3A_245 : i32
          %ne3A = arith.cmpi ne, %sign3A_239, %sign3A_246 : i32
          %rem3A_247 = arith.remsi %add3A_232, %jit3A : i32
          %ne3A_248 = arith.constant 0 : i32
          %ne3A_249 = arith.cmpi ne, %rem3A_247, %ne3A_248 : i32
          %and3A_250 = arith.andi %ne3A, %ne3A_249 : i1
          %sub3A_251 = arith.constant 1 : i32
          %sub3A_252 = arith.subi %div3A_233, %sub3A_251 : i32
          %select_n3A_253 = arith.select %and3A_250, %sub3A_252, %div3A_233 : i32
          %rem3A_254 = arith.constant 2 : i32
          %rem3A_255 = arith.remsi %select_n3A_253, %rem3A_254 : i32
          %mul3A_256 = arith.constant 8 : i32
          %mul3A_257 = arith.muli %rem3A_255, %mul3A_256 : i32
          %add3A_258 = arith.addi %select_n3A_7, %select_n3A_253 : i32
          %dma_wait3A_259 = arith.constant 0 : i32
          %dma_wait3A_260 = tpu.memref_slice %arg7[%mul3A_257, %dma_wait3A_259] : memref<16x128xi32, #tpu.memory_space<vmem>> -> memref<8x128xi32, #tpu.memory_space<vmem>>
          %dma_wait3A_261 = arith.constant 0 : i32
          %dma_wait3A_262 = arith.constant 0 : i32
          %dma_wait3A_263 = tpu.memref_slice %arg3[%arg1, %add3A_258, %dma_wait3A_261, %dma_wait3A_262] : memref<16x20x8x128xi32, #tpu.memory_space<hbm>> -> memref<1x1x8x128xi32, #tpu.memory_space<hbm>>
          %dma_wait3A_264 = tpu.memref_squeeze %dma_wait3A_263 : memref<1x1x8x128xi32, #tpu.memory_space<hbm>> -> memref<8x128xi32, #tpu.memory_space<hbm>>
          %dma_wait3A_265 = arith.constant 0 : i32
          %dma_wait3A_266 = tpu.memref_slice %arg7[%mul3A_257, %dma_wait3A_265] : memref<16x128xi32, #tpu.memory_space<vmem>> -> memref<8x128xi32, #tpu.memory_space<vmem>>
          %dma_wait3A_267 = arith.constant 0 : i32
          %dma_wait3A_268 = arith.constant 0 : i32
          %dma_wait3A_269 = tpu.memref_slice %arg3[%arg1, %add3A_258, %dma_wait3A_267, %dma_wait3A_268] : memref<16x20x8x128xi32, #tpu.memory_space<hbm>> -> memref<1x1x8x128xi32, #tpu.memory_space<hbm>>
          %dma_wait3A_270 = tpu.memref_squeeze %dma_wait3A_269 : memref<1x1x8x128xi32, #tpu.memory_space<hbm>> -> memref<8x128xi32, #tpu.memory_space<hbm>>
          tpu.wait_dma2 semaphore(%arg17 : memref<!tpu.dma_semaphore, #tpu.memory_space<semaphore_mem>>) src(%dma_wait3A_270 : memref<8x128xi32, #tpu.memory_space<hbm>>) dst(%dma_wait3A_266 : memref<8x128xi32, #tpu.memory_space<vmem>>)
          %add3A_271 = arith.addi %select_n3A_7, %select_n3A_253 : i32
          %dma_wait3A_272 = arith.constant 0 : i32
          %dma_wait3A_273 = tpu.memref_slice %arg8[%mul3A_257, %dma_wait3A_272] : memref<16x128xi32, #tpu.memory_space<vmem>> -> memref<8x128xi32, #tpu.memory_space<vmem>>
          %dma_wait3A_274 = arith.constant 0 : i32
          %dma_wait3A_275 = arith.constant 0 : i32
          %dma_wait3A_276 = tpu.memref_slice %arg4[%arg1, %add3A_271, %dma_wait3A_274, %dma_wait3A_275] : memref<16x20x8x128xi32, #tpu.memory_space<hbm>> -> memref<1x1x8x128xi32, #tpu.memory_space<hbm>>
          %dma_wait3A_277 = tpu.memref_squeeze %dma_wait3A_276 : memref<1x1x8x128xi32, #tpu.memory_space<hbm>> -> memref<8x128xi32, #tpu.memory_space<hbm>>
          %dma_wait3A_278 = arith.constant 0 : i32
          %dma_wait3A_279 = tpu.memref_slice %arg8[%mul3A_257, %dma_wait3A_278] : memref<16x128xi32, #tpu.memory_space<vmem>> -> memref<8x128xi32, #tpu.memory_space<vmem>>
          %dma_wait3A_280 = arith.constant 0 : i32
          %dma_wait3A_281 = arith.constant 0 : i32
          %dma_wait3A_282 = tpu.memref_slice %arg4[%arg1, %add3A_271, %dma_wait3A_280, %dma_wait3A_281] : memref<16x20x8x128xi32, #tpu.memory_space<hbm>> -> memref<1x1x8x128xi32, #tpu.memory_space<hbm>>
          %dma_wait3A_283 = tpu.memref_squeeze %dma_wait3A_282 : memref<1x1x8x128xi32, #tpu.memory_space<hbm>> -> memref<8x128xi32, #tpu.memory_space<hbm>>
          tpu.wait_dma2 semaphore(%arg17 : memref<!tpu.dma_semaphore, #tpu.memory_space<semaphore_mem>>) src(%dma_wait3A_283 : memref<8x128xi32, #tpu.memory_space<hbm>>) dst(%dma_wait3A_279 : memref<8x128xi32, #tpu.memory_space<vmem>>)
        } else {
        }
        %add3A_221 = arith.constant 2 : i32
        %add3A_222 = arith.addi %add3A_81, %add3A_221 : i32
        %rem3A_223 = arith.constant 16 : i32
        %rem3A_224 = arith.remsi %add3A_222, %rem3A_223 : i32
        %dma_start3A_225 = arith.constant 0 : i32
        %dma_start3A_226 = tpu.memref_slice %arg7[%rem3A_224, %dma_start3A_225] : memref<16x128xi32, #tpu.memory_space<vmem>> -> memref<1x128xi32, #tpu.memory_space<vmem>>
        %dma_start3A_227 = tpu.memref_squeeze %dma_start3A_226 : memref<1x128xi32, #tpu.memory_space<vmem>> -> memref<128xi32, #tpu.memory_space<vmem>>
        %dma_start3A_228 = arith.constant 0 : i32
        %dma_start3A_229 = arith.constant 0 : i32
        %dma_start3A_230 = tpu.memref_slice %arg2[%dma_start3A_228, %dma_start3A_229] : memref<10000x128xf32, #tpu.memory_space<hbm>> -> memref<10000x128xf32, #tpu.memory_space<hbm>>
        tpu.enqueue_indirect_dma source(%dma_start3A_230 : memref<10000x128xf32, #tpu.memory_space<hbm>>) target(%arg9 : memref<128x128xf32, #tpu.memory_space<vmem>>) offsets(%dma_start3A_227 : memref<128xi32, #tpu.memory_space<vmem>>) semaphore(%arg13 : memref<!tpu.dma_semaphore, #tpu.memory_space<semaphore_mem>>)
      } else {
      }
      %add3A_198 = arith.constant 1 : i32
      %add3A_199 = arith.addi %add3A_81, %add3A_198 : i32
      %rem3A_200 = arith.constant 16 : i32
      %rem3A_201 = arith.remsi %add3A_199, %rem3A_200 : i32
      %scan3A_202 = arith.constant 0 : i32
      %scan3A_203 = arith.constant 8 : i32
      %scan3A_204 = arith.addi %scan3A_202, %scan3A_203 : i32
      %scan3A_205 = arith.constant 1 : i32
      scf.for %scan3A_207 = %scan3A_202 to %scan3A_204 step %scan3A_205  : i32 {
        %mul3A_208 = arith.constant 16 : i32
        %mul3A_209 = arith.muli %scan3A_207, %mul3A_208 : i32
        %add3A_210 = arith.constant 0 : i32
        %add3A_211 = arith.addi %add3A_210, %mul3A_209 : i32
        %get3A = arith.index_cast %rem3A_201 : i32 to index
        %get3A_212 = arith.index_cast %add3A_211 : i32 to index
        %get3A_213 = tpu.vector_load %arg8[%get3A, %get3A_212] {strides = array<i32>} : memref<16x128xi32, #tpu.memory_space<vmem>>, vector<16xi32>,
        tpu.vector_store_idx %arg11[%get3A_213], %broadcast_in_dim3A_8 {add = true} : memref<10240xf32, #tpu.memory_space<vmem>>[vector<16xi32>], vector<16xf32>,
      }
      %scan3A_206 = arith.constant 8 : i32
    }
    %sub3A_69 = arith.constant 1 : i32
    %sub3A_70 = arith.subi %select_n3A_2, %sub3A_69 : i32
    %rem3A_71 = arith.constant 16 : i32
    %rem3A_72 = arith.remsi %sub3A_70, %rem3A_71 : i32
    %dma_wait3A = arith.constant 0 : i32
    %dma_wait3A_73 = tpu.memref_slice %arg8[%rem3A_72, %dma_wait3A] : memref<16x128xi32, #tpu.memory_space<vmem>> -> memref<1x128xi32, #tpu.memory_space<vmem>>
    %dma_wait3A_74 = tpu.memref_squeeze %dma_wait3A_73 : memref<1x128xi32, #tpu.memory_space<vmem>> -> memref<128xi32, #tpu.memory_space<vmem>>
    %dma_wait3A_75 = arith.constant 0 : i32
    %dma_wait3A_76 = arith.constant 0 : i32
    %dma_wait3A_77 = tpu.memref_slice %arg12[%dma_wait3A_75, %dma_wait3A_76] : memref<10240x128xf32, #tpu.memory_space<vmem_shared>> -> memref<10240x128xf32, #tpu.memory_space<vmem_shared>>
    tpu.wait_indirect_dma semaphore(%arg16 : memref<!tpu.dma_semaphore, #tpu.memory_space<semaphore_mem>>) src(%arg10 : memref<128x128xf32, #tpu.memory_space<vmem>>) dst(%dma_wait3A_77 : memref<10240x128xf32, #tpu.memory_space<vmem_shared>>)
    %barrier3A_78 = arith.constant 0 : index
    tpu.barrier barrier_id(%barrier3A_78)
    "tpu.region"() ({
      %run_scoped3A = tpu.sem_alloc : memref<!tpu.dma_semaphore, #tpu.memory_space<semaphore_mem>>
      %dma_start3A_79 = arith.constant 0 : i32
      %dma_start3A_80 = tpu.memref_slice %arg5[%arg0, %mul3A_18, %dma_start3A_79] : memref<2x10240x128xf32, #tpu.memory_space<hbm>> -> memref<1x640x128xf32, #tpu.memory_space<hbm>>
      %dma_start3A_81 = tpu.memref_squeeze %dma_start3A_80 : memref<1x640x128xf32, #tpu.memory_space<hbm>> -> memref<640x128xf32, #tpu.memory_space<hbm>>
      %dma_start3A_82 = arith.constant 0 : i32
      %dma_start3A_83 = tpu.memref_slice %arg12[%mul3A_18, %dma_start3A_82] : memref<10240x128xf32, #tpu.memory_space<vmem_shared>> -> memref<640x128xf32, #tpu.memory_space<vmem_shared>>
      tpu.enqueue_dma source(%dma_start3A_83 : memref<640x128xf32, #tpu.memory_space<vmem_shared>>) target(%dma_start3A_81 : memref<640x128xf32, #tpu.memory_space<hbm>>) target_semaphore(%run_scoped3A : memref<!tpu.dma_semaphore, #tpu.memory_space<semaphore_mem>>)
      %dma_wait3A_84 = arith.constant 0 : i32
      %dma_wait3A_85 = tpu.memref_slice %arg5[%arg0, %mul3A_18, %dma_wait3A_84] : memref<2x10240x128xf32, #tpu.memory_space<hbm>> -> memref<1x640x128xf32, #tpu.memory_space<hbm>>
      %dma_wait3A_86 = tpu.memref_squeeze %dma_wait3A_85 : memref<1x640x128xf32, #tpu.memory_space<hbm>> -> memref<640x128xf32, #tpu.memory_space<hbm>>
      %dma_wait3A_87 = arith.constant 0 : i32
      %dma_wait3A_88 = tpu.memref_slice %arg12[%mul3A_18, %dma_wait3A_87] : memref<10240x128xf32, #tpu.memory_space<vmem_shared>> -> memref<640x128xf32, #tpu.memory_space<vmem_shared>>
      tpu.wait_dma2 semaphore(%run_scoped3A : memref<!tpu.dma_semaphore, #tpu.memory_space<semaphore_mem>>) src(%dma_wait3A_88 : memref<640x128xf32, #tpu.memory_space<vmem_shared>>) dst(%dma_wait3A_86 : memref<640x128xf32, #tpu.memory_space<hbm>>)
      tpu.yield
    }) : () -> ()
    "tpu.region"() ({
      %run_scoped3A = tpu.sem_alloc : memref<!tpu.dma_semaphore, #tpu.memory_space<semaphore_mem>>
      %dma_start3A_79 = arith.constant 0 : i32
      %dma_start3A_80 = tpu.memref_slice %arg6[%arg0, %arg1, %dma_start3A_79] : memref<2x16x10240xf32, #tpu.memory_space<hbm>> -> memref<1x1x10240xf32, #tpu.memory_space<hbm>>
      %dma_start3A_81 = tpu.memref_squeeze %dma_start3A_80 : memref<1x1x10240xf32, #tpu.memory_space<hbm>> -> memref<10240xf32, #tpu.memory_space<hbm>>
      %dma_start3A_82 = arith.constant 0 : i32
      %dma_start3A_83 = tpu.memref_slice %arg6[%arg0, %arg1, %dma_start3A_82] : memref<2x16x10240xf32, #tpu.memory_space<hbm>> -> memref<1x1x10240xf32, #tpu.memory_space<hbm>>
      %dma_start3A_84 = tpu.memref_squeeze %dma_start3A_83 : memref<1x1x10240xf32, #tpu.memory_space<hbm>> -> memref<10240xf32, #tpu.memory_space<hbm>>
      tpu.enqueue_dma source(%arg11 : memref<10240xf32, #tpu.memory_space<vmem>>) target(%dma_start3A_84 : memref<10240xf32, #tpu.memory_space<hbm>>) target_semaphore(%run_scoped3A : memref<!tpu.dma_semaphore, #tpu.memory_space<semaphore_mem>>)
      %dma_wait3A_85 = arith.constant 0 : i32
      %dma_wait3A_86 = tpu.memref_slice %arg6[%arg0, %arg1, %dma_wait3A_85] : memref<2x16x10240xf32, #tpu.memory_space<hbm>> -> memref<1x1x10240xf32, #tpu.memory_space<hbm>>
      %dma_wait3A_87 = tpu.memref_squeeze %dma_wait3A_86 : memref<1x1x10240xf32, #tpu.memory_space<hbm>> -> memref<10240xf32, #tpu.memory_space<hbm>>
      %dma_wait3A_88 = arith.constant 0 : i32
      %dma_wait3A_89 = tpu.memref_slice %arg6[%arg0, %arg1, %dma_wait3A_88] : memref<2x16x10240xf32, #tpu.memory_space<hbm>> -> memref<1x1x10240xf32, #tpu.memory_space<hbm>>
      %dma_wait3A_90 = tpu.memref_squeeze %dma_wait3A_89 : memref<1x1x10240xf32, #tpu.memory_space<hbm>> -> memref<10240xf32, #tpu.memory_space<hbm>>
      tpu.wait_dma2 semaphore(%run_scoped3A : memref<!tpu.dma_semaphore, #tpu.memory_space<semaphore_mem>>) src(%arg11 : memref<10240xf32, #tpu.memory_space<vmem>>) dst(%dma_wait3A_90 : memref<10240xf32, #tpu.memory_space<hbm>>)
      tpu.yield
    }) : () -> ()
    return
  }
}

module attributes {stable_mosaic.version = 14 : i64} {
  func.func @_tc_body(%arg0: i32, %arg1: memref<2x1024x128xf32, #tpu.memory_space<vmem>>, %arg2: memref<2x16x1024xf32, #tpu.memory_space<vmem>>, %arg3: memref<1024x128xf32, #tpu.memory_space<vmem>>, %arg4: memref<128x128xf32, #tpu.memory_space<vmem>>, %arg5: memref<128x128xf32, #tpu.memory_space<vmem>>, %arg6: memref<1x128xf32, #tpu.memory_space<vmem>>, %arg7: memref<1024x128xf32, #tpu.memory_space<vmem>>) attributes {dimension_semantics = [#tpu.dimension_semantics<arbitrary>], iteration_bounds = array<i64: 10>, scalar_prefetch = 0 : i64, scratch_operands = 0 : i64, tpu.core_type = #tpu.core_type<tc>, window_params = [{transform_indices = @transform_0, window_bounds = array<i64: 2, 1024, 128>}, {transform_indices = @transform_1, window_bounds = array<i64: 2, 16, 1024>}, {transform_indices = @transform_2, window_bounds = array<i64: 1024, 128>}, {pipeline_mode = #tpu.pipeline_mode<synchronous>, transform_indices = @transform_3, window_bounds = array<i64: 128, 128>}, {pipeline_mode = #tpu.pipeline_mode<synchronous>, transform_indices = @transform_4, window_bounds = array<i64: 128, 128>}, {pipeline_mode = #tpu.pipeline_mode<synchronous>, transform_indices = @transform_5, window_bounds = array<i64: 1, 128>}, {transform_indices = @transform_6, window_bounds = array<i64: 1024, 128>}]} {
    %get3A = arith.constant 0 : index
    %get3A_0 = arith.constant 0 : index
    %get3A_1 = arith.constant 0 : index
    %get3A_2 = vector.load %arg2[%get3A, %get3A_0, %get3A_1] : memref<2x16x1024xf32, #tpu.memory_space<vmem>>, vector<2x16x1024xf32>
    %reduce_sum3A = arith.constant dense<0.000000e+00> : vector<1024xf32>
    %reduce_sum3A_3 = vector.multi_reduction <add>, %get3A_2, %reduce_sum3A [0, 1] : vector<2x16x1024xf32> to vector<1024xf32>
    %broadcast_in_dim3A = vector.shape_cast %reduce_sum3A_3 : vector<1024xf32> to vector<1024x1xf32>
    %get3A_4 = arith.constant 0 : index
    %get3A_5 = arith.constant 0 : index
    %get3A_6 = arith.constant 0 : index
    %get3A_7 = vector.load %arg1[%get3A_4, %get3A_5, %get3A_6] : memref<2x1024x128xf32, #tpu.memory_space<vmem>>, vector<1x1024x128xf32>
    %get3A_8 = vector.shape_cast %get3A_7 : vector<1x1024x128xf32> to vector<1024x128xf32>
    %get3A_9 = arith.constant 1 : index
    %get3A_10 = arith.constant 0 : index
    %get3A_11 = arith.constant 0 : index
    %get3A_12 = vector.load %arg1[%get3A_9, %get3A_10, %get3A_11] : memref<2x1024x128xf32, #tpu.memory_space<vmem>>, vector<1x1024x128xf32>
    %get3A_13 = vector.shape_cast %get3A_12 : vector<1x1024x128xf32> to vector<1024x128xf32>
    %add3A = arith.addf %get3A_8, %get3A_13 : vector<1024x128xf32>
    %max3A = arith.constant 1.000000e+00 : f32
    %max3A_14 = vector.broadcast %max3A : f32 to vector<1024x1xf32>
    %max3A_15 = arith.maximumf %broadcast_in_dim3A, %max3A_14 : vector<1024x1xf32>
    %div3A = vector.broadcast %max3A_15 : vector<1024x1xf32> to vector<1024x128xf32>
    %div3A_16 = arith.divf %add3A, %div3A : vector<1024x128xf32>
    %get3A_17 = arith.constant 0 : index
    %get3A_18 = arith.constant 0 : index
    %get3A_19 = vector.load %arg4[%get3A_17, %get3A_18] : memref<128x128xf32, #tpu.memory_space<vmem>>, vector<128x128xf32>
    %dot_general3A = arith.constant dense<0.000000e+00> : vector<1024x128xf32>
    %dot_general3A_20 = tpu.matmul %div3A_16, %get3A_19, %dot_general3A {dimension_numbers = #tpu.dot_dimension_numbers<[1], [0], [0], [1], [0, 0, 1, 1], [], []>, transpose_lhs_hint = false} : vector<1024x128xf32>, vector<128x128xf32>, vector<1024x128xf32> -> vector<1024x128xf32>
    %get3A_21 = arith.constant 0 : index
    %get3A_22 = arith.constant 0 : index
    %get3A_23 = vector.load %arg3[%get3A_21, %get3A_22] : memref<1024x128xf32, #tpu.memory_space<vmem>>, vector<1024x128xf32>
    %get3A_24 = arith.constant 0 : index
    %get3A_25 = arith.constant 0 : index
    %get3A_26 = vector.load %arg5[%get3A_24, %get3A_25] : memref<128x128xf32, #tpu.memory_space<vmem>>, vector<128x128xf32>
    %dot_general3A_27 = arith.constant dense<0.000000e+00> : vector<1024x128xf32>
    %dot_general3A_28 = tpu.matmul %get3A_23, %get3A_26, %dot_general3A_27 {dimension_numbers = #tpu.dot_dimension_numbers<[1], [0], [0], [1], [0, 0, 1, 1], [], []>, transpose_lhs_hint = false} : vector<1024x128xf32>, vector<128x128xf32>, vector<1024x128xf32> -> vector<1024x128xf32>
    %add3A_29 = arith.addf %dot_general3A_20, %dot_general3A_28 : vector<1024x128xf32>
    %get3A_30 = arith.constant 0 : index
    %get3A_31 = arith.constant 0 : index
    %get3A_32 = vector.load %arg6[%get3A_30, %get3A_31] : memref<1x128xf32, #tpu.memory_space<vmem>>, vector<1x128xf32>
    %add3A_33 = vector.broadcast %get3A_32 : vector<1x128xf32> to vector<1024x128xf32>
    %add3A_34 = arith.addf %add3A_29, %add3A_33 : vector<1024x128xf32>
    %swap3A = arith.constant 0 : index
    %swap3A_35 = arith.constant 0 : index
    %swap3A_36 = vector.load %arg7[%swap3A, %swap3A_35] : memref<1024x128xf32, #tpu.memory_space<vmem>>, vector<1024x128xf32>
    tpu.vector_store %arg7[%swap3A, %swap3A_35], %add3A_34 {strides = array<i32>} : memref<1024x128xf32, #tpu.memory_space<vmem>>, vector<1024x128xf32>,
    return
  }
  func.func @transform_0(%arg0: i32) -> (i32, i32, i32) {
    %c0_i32 = arith.constant 0 : i32
    %c0_i32_0 = arith.constant 0 : i32
    %c0_i32_1 = arith.constant 0 : i32
    return %c0_i32, %arg0, %c0_i32_0 : i32, i32, i32
  }
  func.func @transform_1(%arg0: i32) -> (i32, i32, i32) {
    %c0_i32 = arith.constant 0 : i32
    %c0_i32_0 = arith.constant 0 : i32
    %c0_i32_1 = arith.constant 0 : i32
    return %c0_i32, %c0_i32_0, %arg0 : i32, i32, i32
  }
  func.func @transform_2(%arg0: i32) -> (i32, i32) {
    %c0_i32 = arith.constant 0 : i32
    %c0_i32_0 = arith.constant 0 : i32
    return %arg0, %c0_i32 : i32, i32
  }
  func.func @transform_3(%arg0: i32) -> (i32, i32) {
    %c0_i32 = arith.constant 0 : i32
    %c0_i32_0 = arith.constant 0 : i32
    %c0_i32_1 = arith.constant 0 : i32
    return %c0_i32, %c0_i32_0 : i32, i32
  }
  func.func @transform_4(%arg0: i32) -> (i32, i32) {
    %c0_i32 = arith.constant 0 : i32
    %c0_i32_0 = arith.constant 0 : i32
    %c0_i32_1 = arith.constant 0 : i32
    return %c0_i32, %c0_i32_0 : i32, i32
  }
  func.func @transform_5(%arg0: i32) -> (i32, i32) {
    %c0_i32 = arith.constant 0 : i32
    %c0_i32_0 = arith.constant 0 : i32
    %c0_i32_1 = arith.constant 0 : i32
    return %c0_i32, %c0_i32_0 : i32, i32
  }
  func.func @transform_6(%arg0: i32) -> (i32, i32) {
    %c0_i32 = arith.constant 0 : i32
    %c0_i32_0 = arith.constant 0 : i32
    return %arg0, %c0_i32 : i32, i32
  }
}

</mosaic_0001>

<sc_bundles>
// kernel: kernel.4.cloned.1.call-start
scs
__scs_entry_jumppad:
0x0: {  	(pc) =	sbr.rel $0x88, $3  }
0x1: {  	(tag) =	ssettag $0x0;
	lr =	simm.s32 $0x1  }
0x2: {  	[smem:$0x3F9B] =	sst lr;
	_ =	strace $0xD0000000  }
0x3: {  	_ = 	snop  }
0x4: {  	_ = 	snop  }
0x5: {  	_ = 	snop  }
0x6: {  	_ = 	snop  }
0x7: {  	_ = 	snop  }
__scs_overlays_trampoline_lowered:
0x8: {  	[smem:$0x3FAA] =	sst s0  }
0x9: {  	[smem:$0x3FAB] =	sst s1  }
0xa: {  	[smem:$0x3FAC] =	sst s2  }
0xb: {  	[smem:$0x3FAD] =	sst s3  }
0xc: {  	[smem:$0x3FAE] =	sst s4  }
0xd: {  	[smem:$0x3FAF] =	sst s5  }
0xe: {  	[smem:$0x3FB0] =	sst s6  }
0xf: {  	[smem:$0x3FB1] =	sst s7  }
0x10: {  	[smem:$0x3FB2] =	sst s8  }
0x11: {  	[smem:$0x3FB3] =	sst s9;
	s0 =	simm.s32 @!p0 $0x0  }
0x12: {  	s1 =	sld [smem:$0x3F99];
	s0 =	simm.s32 @p0 $0x1  }
0x13: {  	[smem:$0x3FB4] =	sst s0;
	s0 =	simm.s32 @!p1 $0x0  }
0x14: {  	s2 =	sld [smem:$0x3F98];
	s0 =	simm.s32 @p1 $0x1  }
0x15: {  	[smem:$0x3FB5] =	sst s0;
	s0 =	simm.s32 @!p2 $0x0  }
0x16: {  	s3 =	sld [smem:$0x3FDB];
	s0 =	simm.s32 @p2 $0x1  }
0x17: {  	s4 =	simm.s32 $0x1BF5;
	[smem:$0x3FB7] =	sst s0  }
0x18: {  	s0 =	sld [smem:$0x3F9A];
	_ =	swait.ge [sflag:s4], $0x0  }
0x19: {  	s7 =	sld [smem:$0x3F9B]  }
0x1a: {  	s8 =	sadd.s32 $0xFFFFE003, lr  }
0x1b: {  	s9 =	sadd.s32 $0xFFFFFEF7, lr;
	s5 =	simm.s32 $0xFFFFFFFF;
	p2 =	slt.u32 s8, $0xFFFFF086  }
0x1c: {  	p1 =	slt.u32 s9, $0xF7A;
	s5 =	simm.s32 @!p2 $0x0  }
0x1d: {  	s5 =	simm.s32 @p1 $0x1;
	p0 =	seq.s32 s7, s2  }
0x1e: {  	s7 =	smul.u32 @!p0 $0xF7A, s2;
	p2 =	seq.s32 @!p0 s5, $0x0  }
0x1f: {  	s9 =	smul.u32 $0xF7A, s1;
	s8 =	simm.s32 @!p0 $0x1BF5;
	p2 =	por !p2, p0  }
0x20: {  	[sflag:s8] =	ssyncset.s32 @!p0 $0xFFFFF086;
	s6 =	sadd.s32 @!p0 s3, s7;
	s7 =	simm.s32 @!p0 $0x108  }
0x21: {  	s3 =	sadd.s32 s3, s9;
	s6 =	sadd.s32 @!p0 $0x88, s6;
	s7 =	simm.s32 @p2 $0x1082  }
0x22: {  	[simem:s7], [sflag:s8] =	dma.local @!p0 [hbm:s6], $0xF7A  }
0x23: {  	s9 =	sor.u32 $0xD0000000, s2;
	s6 =	simm.s32 $0x108;
	_ =	swait.ge @!p0 [sflag:s8], $0x0  }
0x24: {  	s3 =	sadd.s32 $0x88, s3;
	s6 =	simm.s32 @!p1 $0x1082;
	[sflag:s4] =	ssyncset.s32 $0xFFFFF086  }
0x25: {  	[simem:s6], [sflag:s4] =	dma.local [hbm:s3], $0xF7A  }
0x26: {  	[smem:$0x3F9B] =	sst s1;
	(tag) =	ssettag s2;
	_ =	strace s9  }
0x27: {  	s1 =	sld [smem:$0x3FAB]  }
0x28: {  	s2 =	sld [smem:$0x3FAC]  }
0x29: {  	s4 =	sld [smem:$0x3FAE]  }
0x2a: {  	p0 =	seq.s32 s5, $0x0;
	s5 =	sld [smem:$0x3FAF]  }
0x2b: {  	s6 =	sld [smem:$0x3FB0]  }
0x2c: {  	s7 =	sld [smem:$0x3FB1]  }
0x2d: {  	s3 =	simm.s32 $0x108;
	s8 =	sld [smem:$0x3FB2]  }
0x2e: {  	s3 =	simm.s32 @!p0 $0x1082;
	s9 =	sld [smem:$0x3FB3]  }
0x2f: {  	lr =	sadd.s32 s0, s3;
	s0 =	sld [smem:$0x3FAA]  }
0x30: {  	s3 =	sld [smem:$0x3FAD]  }
0x31: {  	[smem:$0x3FB6] =	sst s10  }
0x32: {  	s10 =	sld [smem:$0x3FB4];
	_ =	sdelay $0x3  }
0x33: {  	p0 =	seq.s32 s10, $0x1;
	s10 =	sld [smem:$0x3FB6];
	_ =	sdelay $0x3  }
0x34: {  	[smem:$0x3FB6] =	sst s10  }
0x35: {  	s10 =	sld [smem:$0x3FB5];
	_ =	sdelay $0x3  }
0x36: {  	p1 =	seq.s32 s10, $0x1;
	s10 =	sld [smem:$0x3FB6];
	_ =	sdelay $0x3  }
0x37: {  	[smem:$0x3FB6] =	sst s10  }
0x38: {  	s10 =	sld [smem:$0x3FB7]  }
0x39: {  	_ = 	snop;
	(pc) =	sbr.ind lr, $3  }
0x3a: {  	_ = 	snop  }
0x3b: {  	_ = 	snop  }
0x3c: {  	p2 =	seq.s32 s10, $0x1;
	s10 =	sld [smem:$0x3FB6]  }
0x3d: {  	_ =	shalt  }
0x3e: {  	_ =	shalt  }
0x3f: {  	_ =	shalt  }
0x40: {  	_ =	shalt  }
0x41: {  	_ =	shalt  }
0x42: {  	_ =	shalt  }
0x43: {  	_ =	shalt  }
0x44: {  	_ =	shalt  }
0x45: {  	_ =	shalt  }
0x46: {  	_ =	shalt  }
0x47: {  	_ =	shalt  }
0x48: {  	_ =	shalt  }
0x49: {  	_ =	shalt  }
0x4a: {  	_ =	shalt  }
0x4b: {  	_ =	shalt  }
0x4c: {  	_ =	shalt  }
0x4d: {  	_ =	shalt  }
0x4e: {  	_ =	shalt  }
0x4f: {  	_ =	shalt  }
0x50: {  	_ =	shalt  }
0x51: {  	_ =	shalt  }
0x52: {  	_ =	shalt  }
0x53: {  	_ =	shalt  }
0x54: {  	_ =	shalt  }
0x55: {  	_ =	shalt  }
0x56: {  	_ =	shalt  }
0x57: {  	_ =	shalt  }
0x58: {  	_ =	shalt  }
0x59: {  	_ =	shalt  }
0x5a: {  	_ =	shalt  }
0x5b: {  	_ =	shalt  }
0x5c: {  	_ =	shalt  }
0x5d: {  	_ =	shalt  }
0x5e: {  	_ =	shalt  }
0x5f: {  	_ =	shalt  }
0x60: {  	_ =	shalt  }
0x61: {  	_ =	shalt  }
0x62: {  	_ =	shalt  }
0x63: {  	_ =	shalt  }
0x64: {  	_ =	shalt  }
0x65: {  	_ =	shalt  }
0x66: {  	_ =	shalt  }
0x67: {  	_ =	shalt  }
0x68: {  	_ =	shalt  }
0x69: {  	_ =	shalt  }
0x6a: {  	_ =	shalt  }
0x6b: {  	_ =	shalt  }
0x6c: {  	_ =	shalt  }
0x6d: {  	_ =	shalt  }
0x6e: {  	_ =	shalt  }
0x6f: {  	_ =	shalt  }
0x70: {  	_ =	shalt  }
0x71: {  	_ =	shalt  }
0x72: {  	_ =	shalt  }
0x73: {  	_ =	shalt  }
0x74: {  	_ =	shalt  }
0x75: {  	_ =	shalt  }
0x76: {  	_ =	shalt  }
0x77: {  	_ =	shalt  }
0x78: {  	_ =	shalt  }
0x79: {  	_ =	shalt  }
0x7a: {  	_ =	shalt  }
0x7b: {  	_ =	shalt  }
0x7c: {  	_ =	shalt  }
0x7d: {  	_ =	shalt  }
0x7e: {  	_ =	shalt  }
0x7f: {  	_ =	shalt  }
0x80: {  	_ =	shalt  }
0x81: {  	_ =	shalt  }
0x82: {  	_ =	shalt  }
0x83: {  	_ =	shalt  }
0x84: {  	_ =	shalt  }
0x85: {  	_ =	shalt  }
0x86: {  	_ =	shalt  }
0x87: {  	_ =	shalt  }
.Lfunc_end0:
.L_simem_size_0:
called_computation_lowered:
.L_overlay_start_0:
0x88: {  	s2 =	sld [smem:$0x3FD9]  }
0x89: {  	s3 =	sld [smem:$0x3FFE];
	_ =	sdelay $0x1  }
0x8a: {  	s1 =	srdreg.scid  }
0x8b: {  	s0 =	sand.u32 $0x1, s1  }
0x8c: {  	s17 =	sshll.u32 s0, $0xA;
	s2 =	sadd.s32 s3, s2  }
0x8d: {  	s2 =	sadd.s32 s2, s17  }
0x8e: {  	[smem:$0x3FC2] =	sst s2  }
0x8f: {  	_ = 	snop  }
0x90: {  	s2 =	sld [smem:$0x3FC9]  }
0x91: {  	s18 =	sld [smem:$0x3FD0];
	(tm) =	ssettm $0x1  }
0x92: {  	s4 =	sld [smem:$0x3FFB];
	_ =	sdelay $0x3  }
0x93: {  	_ =	strace s4  }
0x94: {  	s4 =	sld [smem:$0x3FFC];
	_ =	sdelay $0x3  }
0x95: {  	_ =	strace s4  }
0x96: {  	s4 =	sld [smem:$0x3FFD];
	_ =	sdelay $0x3  }
0x97: {  	_ =	strace s4  }
0x98: {  	_ =	strace $0x8FFFFFFF  }
0x99: {  	s19 =	sld [smem:$0x3FDB];
	_ =	sdelay $0x1  }
0x9a: {  	s5 =	simm.s32 $_scs_section_size  }
0x9b: {  	s6 =	simm.s32 $_size__tile_overlayer_lowered;
	s7 =	simm.s32 $_tile_overlayer_lowered  }
0x9c: {  	s22 =	simm.s32 $0x1BFF;
	s21 =	sshll.u32 s7, $0x1;
	s4 =	sadd.s32 s5, s19  }
0x9d: {  	s8 =	simm.s32 $0x0;
	s20 =	sshll.u32 s6, $0x1;
	s6 =	sadd.s32 s21, s4  }
0x9e: {  	[timem:s8], [sflag:s22] =	dma.local [hbm:s6], s20  }
0x9f: {  	_ =	swait.ge [sflag:s22], s20  }
0xa0: {  	s5 =	ssub.s32 $0x0, s20;
	[sflag:s22] =	ssyncset.done $0x0  }
0xa1: {  	[sflag:s22] =	ssyncadd.s32 s5;
	_ =	sdelay $0x1  }
0xa2: {  	s23 =	simm.s32 $0x1B8B  }
0xa3: {  	_ =	swait.ge [sflag:s23], $0x1  }
0xa4: {  	[sflag:s23] =	ssyncset.done $0x0  }
0xa5: {  	s25 =	simm.s32 $0x1B8E;
	s24 =	sld [smem:$0x3FFE];
	[sflag:s23] =	ssyncadd.s32 $0xFFFFFFFF  }
0xa6: {  	s26 =	simm.s32 $execute0_lowered;
	[smem:$0x3FD2] =	sst s25  }
0xa7: {  	s6 =	sshll.u32 s26, $0x1;
	_ =	strace $0x80000046;
	[dreg:$0x1] =	wrdreg $0xFFFFFFFF  }
0xa8: {  	s28 =	simm.s32 $_size_execute0_lowered;
	s4 =	sadd.s32 s4, s6;
	[dreg:$0x0] =	wrdreg $0x0  }
0xa9: {  	s6 =	sshll.u32 s28, $0x1;
	[dreg:$0x2] =	wrdreg s4  }
0xaa: {  	[dreg:$0x3] =	wrdreg s6  }
0xab: {  	[dreg:$0x4] =	wrdreg $0xC0  }
0xac: {  	_ =	task [dreg:s8], $0x5FFFF  }
0xad: {  	[dreg:$0x1] =	wrdreg $0xFFFFFFFF  }
0xae: {  	[dreg:$0x0] =	wrdreg $0x60  }
0xaf: {  	[dreg:$0x2] =	wrdreg s2  }
0xb0: {  	[dreg:$0x3] =	wrdreg s18  }
0xb1: {  	[dreg:$0x4] =	wrdreg s24  }
0xb2: {  	[dreg:$0x5] =	wrdreg $0xB8000  }
0xb3: {  	[dreg:$0x6] =	wrdreg $0x9  }
0xb4: {  	_ =	task.clear_ibuf [dreg:s8], $0x7FFFF;
	_ =	strace $0x90000046  }
0xb5: {  	s29 =	simm.s32 $0x9;
	_ =	strace $0x80000048  }
0xb6: {  	_ =	swait.ge [sflag:s29], $0x1  }
0xb7: {  	[sflag:s29] =	ssyncadd.s32 $0xFFFFFFFF  }
0xb8: {  	_ =	strace $0x90000048  }
0xb9: {  	_ =	sfence  }
0xba: {  	s30 =	sld [smem:$0x0];
	_ =	sdelay $0x2  }
0xbb: {  	s31 =	sshll.u32 s1, $0xD;
	s1 =	sshrl.u32 s1, $0x2  }
0xbc: {  	s3 =	sand.u32 $0x4000, s31;
	s1 =	sadd.s32 s1, s30  }
0xbd: {  	s0 =	sor.u32 s3, s0;
	s1 =	sshll.u32 s1, $0x11  }
0xbe: {  	s0 =	sor.u32 s1, s0  }
0xbf: {  	s0 =	sadd.s32 $0x8F2B, s0  }
0xc0: {  	[sflag:s0] =	ssyncadd.remote.s32 $0x1  }
0xc1: {  	_ =	sfence.sel $0xFFFF  }
0xc2: {  	[dreg:$0x0] =	wrdreg $0xFFFFFFFF;
	(pc) =	sbr.abs _section_cstart, $3  }
0xc3: {  	[dreg:$0x1] =	wrdreg $0xFFFFFFFF  }
0xc4: {  	_ =	task.clear_ibuf [dreg:s8], $0x2FFFF;
	_ =	strace $0x9FFFFFFF  }
0xc5: {  	(tm) =	ssettm $0x7FFFFFFF  }
tec
execute0_lowered:
.L_overlay_start_1:
0x0: {  	(tag) =	ssettag $0x1  }
0x1: {  	s0 =	rddreg [dreg:$0x0]  }
0x2: {  	s2 =	rddreg [dreg:$0x1]  }
0x3: {  	s1 =	srdreg.scid;
	s3 =	rddreg [dreg:$0x2]  }
0x4: {  	s13 =	stileid.u32;
	s4 =	rddreg [dreg:$0x3];
	s5 =	simm.s32 $0x0  }
0x5: {  	s28 =	simm.s32 $0x1;
	s29 =	simm.s32 $0x5000;
	s9 =	smul.u32 $0x14000, s13  }
0x6: {  	s30 =	simm.s32 $0x9000;
	s1 =	sand.u32 $0x1, s1;
	s16 =	smul.u32 $0x50000, s13  }
0x7: {  	s31 =	simm.s32 $0x2;
	s8 =	sshrl.u32 s13, $0x3;
	s7 =	smul.u32 $0x140000, s1  }
0x8: {  	[smem:$0x7FF] =	sst s5;
	s10 =	sshll.u32 s13, $0x7;
	s6 =	smul.u32 $0x28000, s1  }
0x9: {  	s8 =	smul.u32 $0x14000, s8;
	_ =	strace $0x80000047;
	s10 =	sand.u32 $0x380, s10  }
0xa: {  	s12 =	ssub.s32 $0x2, s1;
	s15 =	ssub.s32 $0x0, s1;
	p0 =	seq.s32 s1, $0x0  }
0xb: {  	s14 =	sshrl.u32 s12, $0x1;
	s17 =	sshrl.u32 s16, $0x2;
	s8 =	sadd.s32 s6, s8  }
0xc: {  	s6 =	sadd.s32 $0x1400, s3;
	s7 =	sadd.s32 s9, s7;
	s12 =	ssub.s32 s12, s14  }
0xd: {  	s9 =	simm.s32 $0x78;
	s8 =	sor.u32 s10, s8;
	s7 =	sshrl.u32 s7, $0x3  }
0xe: {  	s9 =	simm.s32 @!p0 $0x28;
	s10 =	sadd.s32 s17, s4;
	s8 =	sshrl.u32 s8, $0x3  }
0xf: {  	s11 =	sadd.s32 s7, s3;
	s7 =	sand.u32 $0xF, s15;
	s20 =	sadd.s32 $0x4000, s10  }
0x10: {  	s21 =	sadd.s32 $0x8000, s10;
	s22 =	sadd.s32 $0xC000, s10;
	[dreg:$0x6] =	wrdreg s20  }
0x11: {  	s23 =	sadd.s32 $0x10000, s10;
	s3 =	sadd.s32 s8, s3;
	[dreg:$0x7] =	wrdreg s21  }
0x12: {  	s8 =	smul.u32 $0x5000, s13;
	s18 =	sshll.u32 s7, $0xA;
	[dreg:$0x8] =	wrdreg s22  }
0x13: {  	[dreg:$0x9] =	wrdreg s23;
	s21 =	smax.u32 s12, $0x1;
	s22 =	simm.s32 $0x1000  }
0x14: {  	s23 =	simm.s32 $0x6;
	s20 =	sadd.s32 $0x5B400, s3;
	s19 =	sadd.s32 s8, s18  }
0x15: {  	s3 =	simm.s32 $0x3;
	s1 =	sshrl.u32 s19, $0x3;
	s19 =	sshrl.u32 s9, $0x1  }
0x16: {  	s24 =	sadd.s32 s2, s1;
	s25 =	sadd.s32 s6, s1;
	[dreg:$0x5] =	wrdreg s19  }
0x17: {  	s1 =	sadd.s32 $0x80, s1;
	s19 =	sadd.s32 $0xB400, s11;
	[dreg:$0xa] =	wrdreg s24  }
0x18: {  	[dreg:$0xb] =	wrdreg s25;
	s26 =	sadd.s32 s2, s1;
	s18 =	sadd.s32 s6, s1  }
0x19: {  	v0 =	vimm.f32 $0.0e+00;
	v1 =	vimm.f32 $1.000000000e+00;
	s1 =	simm.s32 $0x4;
	[dreg:$0xc] =	wrdreg s26;
	s26 =	simm.s32 $0x80  }
.LBB2_1:
0x1a: {  	s11 =	simm.s32 $0x0;
	s12 =	simm.s32 $0x200  }
.LBB2_2:
0x1b: {  	p0 =	sne.s32 s12, $0xFE00;
	[tilespmem:s11+$0x1070] =	vst v0  }
0x1c: {  	[tilespmem:s11+$0x1000] =	vst v0  }
0x1d: {  	[tilespmem:s11+$0x1010] =	vst v0  }
.Ltmp0:
0x1e: {  	[tilespmem:s11+$0x1020] =	vst v0;
	(pc) =	sbr.rel @p0 .LBB2_2-.Ltmp0, $4  }
0x1f: {  	[tilespmem:s11+$0x1030] =	vst v0  }
0x20: {  	[tilespmem:s11+$0x1040] =	vst v0  }
0x21: {  	[tilespmem:s11+$0x1050] =	vst v0  }
0x22: {  	[tilespmem:s11+$0x1060] =	vst v0;
	s11 =	sshra.s32 s12, $0x2;
	s12 =	sadd.s32 $0x200, s12  }
0x23: {  	[tilespmem:s11+$0x1070] =	vst v0  }
0x24: {  	[tilespmem:s11+$0x1000] =	vst v0  }
0x25: {  	[tilespmem:s11+$0x1010] =	vst v0  }
0x26: {  	[tilespmem:s11+$0x1020] =	vst v0  }
0x27: {  	[tilespmem:s11+$0x1030] =	vst v0  }
0x28: {  	[tilespmem:s11+$0x1040] =	vst v0  }
0x29: {  	[tilespmem:s11+$0x1050] =	vst v0  }
0x2a: {  	[tilespmem:s11+$0x1060] =	vst v0;
	s11 =	simm.s32 $0x40;
	s12 =	simm.s32 $0x0  }
.LBB2_4:
0x2b: {  	p0 =	sne.s32 s11, $0x9FC0;
	[tilespmem:s12+$0x9000] =	vst v0;
	s12 =	smov.u32 s11;
	s11 =	sadd.s32 $0x40, s11  }
.Ltmp1:
0x2c: {  	(pc) =	sbr.rel @p0 .LBB2_4-.Ltmp1, $2  }
0x2d: {  	_ =	sdelay $0x2  }
0x2e: {  	s12 =	sshra.s32 s12, $0x2  }
0x2f: {  	[tilespmem:s12+$0x9000] =	vst v0  }
0x30: {  	[spmem:s10] =	stream.linear.scatter [tilespmem:s22], [sflag:$0x6], $0x4000, $0x38;
	[tilespmem:$0x1F800] =	vst v63  }
0x31: {  	_ =	swait.ge [sflag:s23], $0x4000  }
0x32: {  	[sflag:s23] =	ssyncset.done $0x0  }
0x33: {  	s11 =	rddreg [dreg:$0x6];
	[sflag:s23] =	ssyncadd.s32 $0xFFFFC000  }
0x34: {  	[spmem:s11] =	stream.linear.scatter [tilespmem:s22], [sflag:$0x6], $0x4000, $0x38;
	[tilespmem:$0x1F800] =	vst v63  }
0x35: {  	_ =	swait.ge [sflag:s23], $0x4000  }
0x36: {  	[sflag:s23] =	ssyncset.done $0x0  }
0x37: {  	s24 =	rddreg [dreg:$0x7];
	[sflag:s23] =	ssyncadd.s32 $0xFFFFC000  }
0x38: {  	[spmem:s24] =	stream.linear.scatter [tilespmem:s22], [sflag:$0x6], $0x4000, $0x38;
	[tilespmem:$0x1F800] =	vst v63  }
0x39: {  	_ =	swait.ge [sflag:s23], $0x4000  }
0x3a: {  	[sflag:s23] =	ssyncset.done $0x0  }
0x3b: {  	s25 =	rddreg [dreg:$0x8];
	[sflag:s23] =	ssyncadd.s32 $0xFFFFC000  }
0x3c: {  	[spmem:s25] =	stream.linear.scatter [tilespmem:s22], [sflag:$0x6], $0x4000, $0x38;
	[tilespmem:$0x1F800] =	vst v63  }
0x3d: {  	_ =	swait.ge [sflag:s23], $0x4000  }
0x3e: {  	[sflag:s23] =	ssyncset.done $0x0  }
0x3f: {  	s12 =	rddreg [dreg:$0x9];
	[sflag:s23] =	ssyncadd.s32 $0xFFFFC000  }
0x40: {  	[spmem:s12] =	stream.linear.scatter [tilespmem:s22], [sflag:$0x6], $0x4000, $0x38;
	[tilespmem:$0x1F800] =	vst v63  }
0x41: {  	_ =	swait.ge [sflag:s23], $0x4000  }
0x42: {  	[sflag:s23] =	ssyncset.done $0x0  }
0x43: {  	[sflag:s23] =	ssyncadd.s32 $0xFFFFC000  }
0x44: {  	[bflag:$0x0] =	sbarrier.arrive $0xFFFF  }
0x45: {  	s25 =	simm.s32 $0x0;
	s13 =	rddreg [dreg:$0xa]  }
0x46: {  	[tilespmem:s25], [sflag:$0x6] =	stream.linear.gather [hbm4b:s13+s25], $0x400, $0x38;
	[tilespmem:$0x1F800] =	vst v63  }
0x47: {  	_ =	swait.ge [sflag:s23], $0x400  }
0x48: {  	[sflag:s23] =	ssyncset.done $0x0  }
0x49: {  	s15 =	simm.s32 $0x800;
	s14 =	rddreg [dreg:$0xb];
	[sflag:s23] =	ssyncadd.s32 $0xFFFFFC00  }
0x4a: {  	[tilespmem:s15], [sflag:$0x6] =	stream.linear.gather [hbm4b:s14+s25], $0x400, $0x38;
	[tilespmem:$0x1F800] =	vst v63  }
0x4b: {  	_ =	swait.ge [sflag:s23], $0x400  }
0x4c: {  	[sflag:s23] =	ssyncset.done $0x0  }
0x4d: {  	s24 =	simm.s32 $0x400;
	s16 =	rddreg [dreg:$0xc];
	[sflag:s23] =	ssyncadd.s32 $0xFFFFFC00  }
0x4e: {  	[tilespmem:s24], [sflag:$0x6] =	stream.linear.gather [hbm4b:s16+s25], $0x400, $0x38;
	[tilespmem:$0x1F800] =	vst v63  }
0x4f: {  	_ =	swait.ge [sflag:s23], $0x400  }
0x50: {  	[sflag:s23] =	ssyncset.done $0x0  }
0x51: {  	s17 =	simm.s32 $0xC00;
	[sflag:s23] =	ssyncadd.s32 $0xFFFFFC00  }
0x52: {  	[tilespmem:s17], [sflag:$0x6] =	stream.linear.gather [hbm4b:s18+s25], $0x400, $0x38;
	[tilespmem:$0x1F800] =	vst v63  }
0x53: {  	_ =	swait.ge [sflag:s23], $0x400  }
0x54: {  	[sflag:s23] =	ssyncset.done $0x0  }
0x55: {  	s11 =	simm.s32 $0x200;
	s12 =	simm.s32 $0x4;
	[sflag:s23] =	ssyncadd.s32 $0xFFFFFC00  }
0x56: {  	[tilespmem:s22], [sflag:$0x1] =	stream.indirect.gather [hbm4b:s0+s26], $0x80, s25, s26, $0xb8;
	[tilespmem:$0x1F800] =	vst v63  }
.LBB2_6:
0x57: {  	s13 =	sadd.s32 $0xFFFFFC00, s24  }
0x58: {  	_ =	swait.ge [sflag:s28], $0x4000;
	s13 =	sand.u32 $0x1C00, s13  }
0x59: {  	p0 =	sge.u32 s12, s9;
	[sflag:s28] =	ssyncset.done $0x0;
	s13 =	sshrl.u32 s13, $0x2  }
0x5a: {  	p1 =	slt.u32 @!p0 s25, $0x6;
	[sflag:s28] =	ssyncadd.s32 $0xFFFFC000;
	s14 =	sor.u32 $0x800, s13  }
0x5b: {  	[spmem:s4] =	stream.indirect.scatter.add.f32 [tilespmem:s22], [sflag:$0x3], $0x80, s14, s26, $0xb8;
	[tilespmem:$0x1F800] =	vst v63  }
0x5c: {  	p2 =	por p1, p0;
	s14 =	sand.u32 $0x6, s12  }
0x5d: {  	p2 =	sne.s32 @!p2 s14, $0x0  }
0x5e: {  	p1 =	por @!p0 p2, p1  }
0x5f: {  	p0 =	por p1, p0  }
0x60: {  	s14 =	sshrl.u32 @!p0 s12, $0x3  }
0x61: {  	p1 =	seq.s32 s25, $0x0;
	s14 =	sadd.s32 @!p0 s7, s14  }
0x62: {  	s15 =	simm.s32 @!p1 $0x4;
	s14 =	sshll.u32 @!p0 s14, $0xA  }
0x63: {  	_ =	swait.ge @!p1 [sflag:s15], $0x4000;
	s14 =	sadd.s32 @!p0 s8, s14  }
0x64: {  	s17 =	simm.s32 @!p0 $0x0;
	[sflag:s15] =	ssyncset.done @!p1 $0x0;
	s14 =	sshrl.u32 @!p0 s14, $0x3  }
0x65: {  	[sflag:s15] =	ssyncadd.s32 @!p1 $0xFFFFC000;
	s15 =	sand.u32 @!p0 $0x400, s11;
	s16 =	sadd.s32 @!p0 s2, s14  }
0x66: {  	[tilespmem:s15], [sflag:$0x5] =	stream.linear.gather @!p0 [hbm4b:s16+s17], $0x400, $0x38;
	[tilespmem:$0x1F800] =	vst v63  }
0x67: {  	s14 =	sadd.s32 @!p0 s6, s14;
	s15 =	sor.u32 @!p0 $0x800, s15;
	s16 =	sadd.s32 $0xFFFFFE00, s11  }
0x68: {  	[tilespmem:s15], [sflag:$0x5] =	stream.linear.gather @!p0 [hbm4b:s14+s17], $0x400, $0x38;
	[tilespmem:$0x1F800] =	vst v63  }
0x69: {  	s14 =	sand.u32 $0x700, s16  }
0x6a: {  	s17 =	sor.u32 $0x80, s14  }
0x6b: {  	[tilespmem:s29], [sflag:$0x2] =	stream.indirect.gather [hbm4b:s0+s26], $0x80, s17, s26, $0xb8;
	[tilespmem:$0x1F800] =	vst v63  }
0x6c: {  	v2 =	vld [tilespmem:s13+$0x800];
	_ =	sdelay $0x7  }
0x6d: {  	[tilespmem:v2+s30+$0x0] =	vst.idx.add.f32.msk $0xffff, v1  }
0x6e: {  	v2 =	vld [tilespmem:s13+$0x810];
	_ =	sdelay $0x7  }
0x6f: {  	[tilespmem:v2+s30+$0x0] =	vst.idx.add.f32.msk $0xffff, v1  }
0x70: {  	v2 =	vld [tilespmem:s13+$0x820];
	_ =	sdelay $0x7  }
0x71: {  	[tilespmem:v2+s30+$0x0] =	vst.idx.add.f32.msk $0xffff, v1  }
0x72: {  	v2 =	vld [tilespmem:s13+$0x830];
	_ =	sdelay $0x7  }
0x73: {  	[tilespmem:v2+s30+$0x0] =	vst.idx.add.f32.msk $0xffff, v1  }
0x74: {  	v2 =	vld [tilespmem:s13+$0x840];
	_ =	sdelay $0x7  }
0x75: {  	[tilespmem:v2+s30+$0x0] =	vst.idx.add.f32.msk $0xffff, v1  }
0x76: {  	v2 =	vld [tilespmem:s13+$0x850];
	_ =	sdelay $0x7  }
0x77: {  	[tilespmem:v2+s30+$0x0] =	vst.idx.add.f32.msk $0xffff, v1  }
0x78: {  	v2 =	vld [tilespmem:s13+$0x860];
	_ =	sdelay $0x7  }
0x79: {  	[tilespmem:v2+s30+$0x0] =	vst.idx.add.f32.msk $0xffff, v1  }
0x7a: {  	v2 =	vld [tilespmem:s13+$0x870];
	_ =	sdelay $0x6  }
0x7b: {  	s13 =	sadd.s32 $0xFFFFFFFE, s12  }
0x7c: {  	p0 =	sge.u32 s13, s9;
	[tilespmem:v2+s30+$0x0] =	vst.idx.add.f32.msk $0xffff, v1  }
0x7d: {  	p1 =	slt.u32 @!p0 s25, $0x7;
	_ =	swait.ge [sflag:s31], $0x4000  }
0x7e: {  	s13 =	sand.u32 @!p0 $0x6, s13;
	p2 =	por p1, p0;
	[sflag:s31] =	ssyncset.done $0x0  }
0x7f: {  	s16 =	sor.u32 $0x880, s14;
	p2 =	sne.s32 @!p2 s13, $0x0;
	[sflag:s31] =	ssyncadd.s32 $0xFFFFC000  }
0x80: {  	[spmem:s4] =	stream.indirect.scatter.add.f32 [tilespmem:s29], [sflag:$0x4], $0x80, s16, s26, $0xb8;
	[tilespmem:$0x1F800] =	vst v63  }
0x81: {  	p1 =	por @!p0 p2, p1;
	_ =	swait.ge [sflag:s3], $0x4000  }
0x82: {  	p1 =	por p1, p0;
	[sflag:s3] =	ssyncset.done $0x0  }
0x83: {  	s13 =	simm.s32 @!p1 $0x5;
	[sflag:s3] =	ssyncadd.s32 $0xFFFFC000  }
0x84: {  	_ =	swait.ge @!p1 [sflag:s13], $0x400  }
0x85: {  	[sflag:s13] =	ssyncset.done @!p1 $0x0  }
0x86: {  	[sflag:s13] =	ssyncadd.s32 @!p1 $0xFFFFFC00  }
0x87: {  	_ =	swait.ge @!p1 [sflag:s13], $0x400  }
0x88: {  	[sflag:s13] =	ssyncset.done @!p1 $0x0  }
0x89: {  	[sflag:s13] =	ssyncadd.s32 @!p1 $0xFFFFFC00;
	s13 =	sand.u32 @!p0 $0x1C00, s24  }
0x8a: {  	s14 =	simm.s32 @!p0 $0x80;
	s16 =	simm.s32 @!p0 $0x1000;
	s13 =	sshrl.u32 @!p0 s13, $0x2  }
0x8b: {  	[tilespmem:s16], [sflag:$0x1] =	stream.indirect.gather @!p0 [hbm4b:s0+s14], $0x80, s13, s14, $0xb8;
	[tilespmem:$0x1F800] =	vst v63  }
0x8c: {  	v2 =	vld [tilespmem:s17+$0x800];
	_ =	sdelay $0x7  }
0x8d: {  	[tilespmem:v2+s30+$0x0] =	vst.idx.add.f32.msk $0xffff, v1  }
0x8e: {  	v2 =	vld [tilespmem:s17+$0x810];
	_ =	sdelay $0x7  }
0x8f: {  	[tilespmem:v2+s30+$0x0] =	vst.idx.add.f32.msk $0xffff, v1  }
0x90: {  	v2 =	vld [tilespmem:s17+$0x820];
	_ =	sdelay $0x7  }
0x91: {  	[tilespmem:v2+s30+$0x0] =	vst.idx.add.f32.msk $0xffff, v1  }
0x92: {  	v2 =	vld [tilespmem:s17+$0x830];
	_ =	sdelay $0x7  }
0x93: {  	[tilespmem:v2+s30+$0x0] =	vst.idx.add.f32.msk $0xffff, v1  }
0x94: {  	v2 =	vld [tilespmem:s17+$0x840];
	_ =	sdelay $0x7  }
0x95: {  	[tilespmem:v2+s30+$0x0] =	vst.idx.add.f32.msk $0xffff, v1  }
0x96: {  	v2 =	vld [tilespmem:s17+$0x850];
	_ =	sdelay $0x7  }
0x97: {  	[tilespmem:v2+s30+$0x0] =	vst.idx.add.f32.msk $0xffff, v1  }
0x98: {  	v2 =	vld [tilespmem:s17+$0x860];
	_ =	sdelay $0x7  }
0x99: {  	[tilespmem:v2+s30+$0x0] =	vst.idx.add.f32.msk $0xffff, v1  }
0x9a: {  	v2 =	vld [tilespmem:s17+$0x870];
	_ =	sdelay $0x1  }
0x9b: {  	s25 =	sadd.s32 $0x1, s25;
	s17 =	rddreg [dreg:$0x5]  }
0x9c: {  	p0 =	sne.s32 s17, s25  }
.Ltmp2:
0x9d: {  	_ = 	snop;
	(pc) =	sbr.rel @p0 .LBB2_6-.Ltmp2, $2  }
0x9e: {  	_ =	sdelay $0x2  }
0x9f: {  	s11 =	sadd.s32 $0x100, s11;
	s12 =	sadd.s32 $0x2, s12;
	s24 =	sadd.s32 $0x400, s24;
	[tilespmem:v2+s30+$0x0] =	vst.idx.add.f32.msk $0xffff, v1  }
0xa0: {  	_ =	swait.ge [sflag:s1], $0x4000  }
0xa1: {  	s11 =	stileid.u32;
	[sflag:s1] =	ssyncset.done $0x0  }
0xa2: {  	s11 =	sshll.u32 s11, $0x6;
	[sflag:s1] =	ssyncadd.s32 $0xFFFFC000  }
0xa3: {  	s12 =	sshrl.u32 s10, $0x3;
	s11 =	sor.u32 $0x1C06, s11;
	[bflag:$0x0] =	sbarrier.arrive $0xFFFF  }
0xa4: {  	[hbm:s19], [sflag:s11] =	dma.local [spmem:s12], $0x2800  }
0xa5: {  	s5 =	sadd.s32 $0x1, s5;
	_ =	swait.ge [sflag:s23], $0x2800  }
0xa6: {  	p0 =	sne.s32 s5, s21;
	[sflag:s23] =	ssyncset.done $0x0  }
.Ltmp3:
0xa7: {  	s25 =	simm.s32 $0x400;
	[sflag:s23] =	ssyncadd.s32 $0xFFFFD800;
	(pc) =	sbr.rel @p0 .LBB2_1-.Ltmp3, $4  }
0xa8: {  	[hbm4b:s20+s26] =	stream.strided.scatter [tilespmem:s30], [sflag:$0x6], $0x2800, s25, s26, $0x38;
	[tilespmem:$0x1F800] =	vst v63  }
0xa9: {  	_ =	swait.ge [sflag:s23], $0x2800  }
0xaa: {  	[sflag:s23] =	ssyncset.done $0x0  }
0xab: {  	[sflag:s23] =	ssyncadd.s32 $0xFFFFD800  }
0xac: {  	_ =	sfence.sel $0x180000  }
0xad: {  	[bflag:$0x0] =	sbarrier.arrive $0xFFFF  }
0xae: {  	_ =	strace $0x90000047  }
0xaf: {  	s0 =	stileid.u32;
	[bflag:$0x2] =	sbarrier.arrive $0xFFFF  }
0xb0: {  	p0 =	sne.s32 s0, $0x0;
	s0 =	rddreg [dreg:$0x4]  }
0xb1: {  	s0 =	sadd.s32 @!p0 $0x100000, s0  }
0xb2: {  	[sflag:s0] =	ssyncadd.tile.s32 @!p0 $0x1;
	_ =	shalt  }
.Lfunc_end2:
_tile_overlayer_lowered:
.L_overlay_start_2:
0xb3: {  	(tag) =	ssettag $0x2  }
0xb4: {  	s0 =	rddreg [dreg:$0x0];
	s2 =	stileid.u32  }
0xb5: {  	s1 =	rddreg [dreg:$0x1];
	p0 =	sne.s32 s2, $0x0  }
0xb6: {  	s3 =	rddreg [dreg:$0x2];
	[bflag:$0x3] =	sbarrier.arrive $0xFFFF;
	s2 =	simm.s32 @!p0 $0x1C06  }
0xb7: {  	[timem:s3], [sflag:s2] =	dma.local @!p0 [hbm:s0], s1  }
0xb8: {  	s0 =	simm.s32 @!p0 $0x6  }
0xb9: {  	_ =	swait.ge @!p0 [sflag:s0], s1  }
0xba: {  	s1 =	ssub.s32 @!p0 $0x0, s1;
	[sflag:s0] =	ssyncset.done @!p0 $0x0  }
0xbb: {  	[sflag:s0] =	ssyncadd.s32 @!p0 s1  }
0xbc: {  	[bflag:$0x3] =	sbarrier.arrive $0xFFFF  }
0xbd: {  	_ =	shalt  }

</sc_bundles>
